<compile_context>
chip_gen: v7x
topology: tpu7x:2x2x1
jax: 0.10.2.dev20260603
libtpu: 0.0.44.dev20260713+nightly
codegen_flags: <defaults>
</compile_context>

<pallas_src>
import jax
import jax.numpy as jnp
from jax import lax
from jax.experimental import pallas as pl
from jax.experimental.pallas import tpu as pltpu
from jax.experimental.pallas import tpu_sc as plsc

NUM_POINTS = 4096
DIMS = 128
BATCH = 512

_NC = 2
_NS = 16
_NW = _NC * _NS
_RPW = BATCH // _NW
_LANES = 16
_NQ = 2
_QR = _RPW // _NQ


def _sc_gather_body(idx_hbm, embeds_hbm, graph_hbm,
                    e_out_hbm, g_out_hbm,
                    idx_all_v, emb_v, rows_v, gsel_v,
                    sem_e, sem_g, sem_o):
  wid = lax.axis_index("s") * _NC + lax.axis_index("c")
  base = wid * _RPW

  pltpu.sync_copy(idx_hbm, idx_all_v)

  gq = [pltpu.async_copy(graph_hbm.at[idx_all_v.at[pl.ds(base + q * _QR, _QR)]],
                         rows_v.at[q], sem_g[q])
        for q in range(_NQ)]
  cp_e = pltpu.async_copy(embeds_hbm.at[idx_all_v.at[pl.ds(base, _RPW)]],
                          emb_v, sem_e)

  out_cps = []
  for q in range(_NQ):
    gq[q].wait()

    def chunk(c, carry, q=q):
      cols = idx_all_v[pl.ds(c * _LANES, _LANES)]
      for r in range(_QR):
        rvec = jnp.full((_LANES,), r, dtype=jnp.int32)
        vals = plsc.load_gather(rows_v.at[q], [rvec, cols])
        gsel_v[pl.ds((q * _QR + r) * BATCH + c * _LANES, _LANES)] = vals
      return carry

    lax.fori_loop(0, BATCH // _LANES, chunk, 0)
    out_cps.append(pltpu.async_copy(
        gsel_v.at[pl.ds(q * _QR * BATCH, _QR * BATCH)],
        g_out_hbm.at[pl.ds((base + q * _QR) * BATCH, _QR * BATCH)],
        sem_o))

  cp_e.wait()
  pltpu.sync_copy(emb_v, e_out_hbm.at[pl.ds(base, _RPW)])
  for cp in out_cps:
    cp.wait()


def _sc_gather(idx, embeds, graph):
  mesh = plsc.VectorSubcoreMesh(core_axis_name="c", subcore_axis_name="s")
  fn = pl.kernel(
      _sc_gather_body,
      out_type=(
          jax.ShapeDtypeStruct((BATCH, DIMS), jnp.float32),
          jax.ShapeDtypeStruct((BATCH * BATCH,), jnp.float32),
      ),
      mesh=mesh,
      scratch_types=[
          pltpu.VMEM((BATCH,), jnp.int32),
          pltpu.VMEM((_RPW, DIMS), jnp.float32),
          pltpu.VMEM((_NQ, _QR, NUM_POINTS), jnp.float32),
          pltpu.VMEM((_RPW * BATCH,), jnp.float32),
          pltpu.SemaphoreType.DMA,
          [pltpu.SemaphoreType.DMA] * _NQ,
          pltpu.SemaphoreType.DMA,
      ],
      compiler_params=pltpu.CompilerParams(needs_layout_passes=False),
  )
  return fn(idx, embeds, graph)


def _tc_loss_body(e_ref, g_ref, out_ref):
  e = e_ref[...]
  g = g_ref[...]
  e2 = e * e
  n_col = jnp.sum(e2, axis=1, keepdims=True)
  ones = jnp.ones((1, DIMS), dtype=jnp.float32)
  n_row = lax.dot_general(ones, e2, (((1,), (1,)), ((), ())),
                          preferred_element_type=jnp.float32,
                          precision=lax.Precision.HIGHEST)
  gram = lax.dot_general(e, e, (((1,), (1,)), ((), ())),
                         preferred_element_type=jnp.float32,
                         precision=lax.Precision.HIGHEST)
  d2 = jnp.maximum(n_col + n_row - 2.0 * gram, 0.0) + 1e-12
  loss = jnp.abs(d2 / (g * g) - 1.0)
  row = lax.broadcasted_iota(jnp.int32, (BATCH, BATCH), 0)
  col = lax.broadcasted_iota(jnp.int32, (BATCH, BATCH), 1)
  loss = jnp.where(col > row, loss, 0.0)
  out_ref[...] = jnp.sum(loss)


def _tc_loss(e_rows, g_sub):
  return pl.pallas_call(
      _tc_loss_body,
      out_shape=jax.ShapeDtypeStruct((), jnp.float32),
      out_specs=pl.BlockSpec(memory_space=pltpu.SMEM),
  )(e_rows, g_sub)


def kernel(input_index, embeds, graph):
  idx = input_index.astype(jnp.int32)
  e_rows, g_flat = _sc_gather(idx, embeds, graph)
  return _tc_loss(e_rows, g_flat.reshape(BATCH, BATCH))

# --- scband reference (transcript-rebuilt; emitter-appended) ---
"""Pipeline reference for scband-model-9826885173444 (READ-ONLY COPY).

The authoritative reference and input builder live on the scoring server;
editing this copy changes nothing except your own understanding.
"""

import jax, jax.numpy as jnp
import numpy as np

NUM_POINTS = 4096
DIMS = 128
BATCH = 512


def setup_inputs(seed: int = 0) -> dict:
    key = jax.random.key(seed)
    k1, k2, k3 = jax.random.split(key, 3)
    input_index = jax.random.randint(k1, (BATCH,), 0, NUM_POINTS)
    # learned embedding table (euclidean manifold parameter)
    embeds = jax.random.normal(k2, (NUM_POINTS, DIMS), dtype=jnp.float32)
    # precomputed graph distances (n x n), strictly positive to avoid div-by-zero
    graph = jax.random.uniform(k3, (NUM_POINTS, NUM_POINTS), dtype=jnp.float32, minval=0.5, maxval=10.0)
    return {"input_index": input_index, "embeds": embeds, "graph": graph}


def _get_src_and_dst_from_seq(input_index):
    # all unordered pairs (i < j) of the indices in the batch sequence
    b = input_index.shape[0]
    iu, ju = jnp.triu_indices(b, k=1)
    src = jnp.take(input_index, iu)
    dst = jnp.take(input_index, ju)
    return src, dst


def reference(input_index, embeds, graph):
    src, dst = _get_src_and_dst_from_seq(input_index)
    # embedding gather (SparseCore-mappable)
    src_embeds = jnp.take(embeds, src, axis=0)
    dst_embeds = jnp.take(embeds, dst, axis=0)
    # Euclidean manifold distance: ||u - v||_2
    manifold_distances = jnp.sqrt(jnp.sum((src_embeds - dst_embeds) ** 2, axis=-1) + 1e-12)
    # gather precomputed graph distances
    graph_distances = graph[src, dst]
    loss = (manifold_distances / graph_distances) ** 2
    loss = jnp.abs(loss - 1.0)
    return loss.sum()

if __name__ == "__main__":
    import jax
    _d = setup_inputs()
    print(jax.jit(kernel)(*tuple(_d.values())))

</pallas_src>

<mosaic_0001>
#map = affine_map<(d0, d1) -> (0)>
#map1 = affine_map<(d0, d1) -> (0, 0)>
module attributes {stable_mosaic.version = 14 : i64} {
  func.func @_sc_gather_body(%arg0: i32, %arg1: i32, %arg2: memref<512xi32, #tpu.memory_space<hbm>>, %arg3: memref<4096x128xf32, #tpu.memory_space<hbm>>, %arg4: memref<4096x4096xf32, #tpu.memory_space<hbm>>, %arg5: memref<512x128xf32, #tpu.memory_space<hbm>>, %arg6: memref<262144xf32, #tpu.memory_space<hbm>>, %arg7: memref<512xi32, #tpu.memory_space<vmem>>, %arg8: memref<16x128xf32, #tpu.memory_space<vmem>>, %arg9: memref<2x8x4096xf32, #tpu.memory_space<vmem>>, %arg10: memref<8192xf32, #tpu.memory_space<vmem>>, %arg11: memref<!tpu.dma_semaphore, #tpu.memory_space<semaphore_mem>>, %arg12: memref<!tpu.dma_semaphore, #tpu.memory_space<semaphore_mem>>, %arg13: memref<!tpu.dma_semaphore, #tpu.memory_space<semaphore_mem>>, %arg14: memref<!tpu.dma_semaphore, #tpu.memory_space<semaphore_mem>>) attributes {dimension_semantics = [#tpu.dimension_semantics<core_parallel>, #tpu.dimension_semantics<subcore_parallel>], iteration_bounds = array<i64: 2, 16>, scalar_prefetch = 0 : i64, scratch_operands = 8 : i64, tpu.core_type = #tpu.core_type<sc_vector_subcore>, window_params = [{transform_indices = #map}, {transform_indices = #map1}, {transform_indices = #map1}, {transform_indices = #map1}, {transform_indices = #map}]} {
    %mul3A = arith.constant 2 : i32
    %mul3A_0 = arith.muli %arg1, %mul3A : i32
    %add3A = arith.addi %mul3A_0, %arg0 : i32
    %mul3A_1 = arith.constant 16 : i32
    %mul3A_2 = arith.muli %add3A, %mul3A_1 : i32
    "tpu.region"() ({
      %run_scoped3A = tpu.sem_alloc : memref<!tpu.dma_semaphore, #tpu.memory_space<semaphore_mem>>
      tpu.enqueue_dma source(%arg2 : memref<512xi32, #tpu.memory_space<hbm>>) target(%arg7 : memref<512xi32, #tpu.memory_space<vmem>>) target_semaphore(%run_scoped3A : memref<!tpu.dma_semaphore, #tpu.memory_space<semaphore_mem>>)
      tpu.wait_dma2 semaphore(%run_scoped3A : memref<!tpu.dma_semaphore, #tpu.memory_space<semaphore_mem>>) src(%arg2 : memref<512xi32, #tpu.memory_space<hbm>>) dst(%arg7 : memref<512xi32, #tpu.memory_space<vmem>>)
      tpu.yield
    }) : () -> ()
    %add3A_3 = arith.constant 0 : i32
    %add3A_4 = arith.addi %mul3A_2, %add3A_3 : i32
    %dma_start3A = arith.constant 0 : i32
    %dma_start3A_5 = arith.constant 0 : i32
    %dma_start3A_6 = arith.constant 0 : i32
    %dma_start3A_7 = tpu.memref_slice %arg9[%dma_start3A, %dma_start3A_5, %dma_start3A_6] : memref<2x8x4096xf32, #tpu.memory_space<vmem>> -> memref<1x8x4096xf32, #tpu.memory_space<vmem>>
    %dma_start3A_8 = tpu.memref_squeeze %dma_start3A_7 : memref<1x8x4096xf32, #tpu.memory_space<vmem>> -> memref<8x4096xf32, #tpu.memory_space<vmem>>
    %dma_start3A_9 = tpu.memref_slice %arg7[%add3A_4] : memref<512xi32, #tpu.memory_space<vmem>> -> memref<8xi32, #tpu.memory_space<vmem>>
    %dma_start3A_10 = arith.constant 0 : i32
    %dma_start3A_11 = arith.constant 0 : i32
    %dma_start3A_12 = tpu.memref_slice %arg4[%dma_start3A_10, %dma_start3A_11] : memref<4096x4096xf32, #tpu.memory_space<hbm>> -> memref<4096x4096xf32, #tpu.memory_space<hbm>>
    tpu.enqueue_indirect_dma source(%dma_start3A_12 : memref<4096x4096xf32, #tpu.memory_space<hbm>>) target(%dma_start3A_8 : memref<8x4096xf32, #tpu.memory_space<vmem>>) offsets(%dma_start3A_9 : memref<8xi32, #tpu.memory_space<vmem>>) semaphore(%arg12 : memref<!tpu.dma_semaphore, #tpu.memory_space<semaphore_mem>>)
    %add3A_13 = arith.constant 8 : i32
    %add3A_14 = arith.addi %mul3A_2, %add3A_13 : i32
    %dma_start3A_15 = arith.constant 1 : i32
    %dma_start3A_16 = arith.constant 0 : i32
    %dma_start3A_17 = arith.constant 0 : i32
    %dma_start3A_18 = tpu.memref_slice %arg9[%dma_start3A_15, %dma_start3A_16, %dma_start3A_17] : memref<2x8x4096xf32, #tpu.memory_space<vmem>> -> memref<1x8x4096xf32, #tpu.memory_space<vmem>>
    %dma_start3A_19 = tpu.memref_squeeze %dma_start3A_18 : memref<1x8x4096xf32, #tpu.memory_space<vmem>> -> memref<8x4096xf32, #tpu.memory_space<vmem>>
    %dma_start3A_20 = tpu.memref_slice %arg7[%add3A_14] : memref<512xi32, #tpu.memory_space<vmem>> -> memref<8xi32, #tpu.memory_space<vmem>>
    %dma_start3A_21 = arith.constant 0 : i32
    %dma_start3A_22 = arith.constant 0 : i32
    %dma_start3A_23 = tpu.memref_slice %arg4[%dma_start3A_21, %dma_start3A_22] : memref<4096x4096xf32, #tpu.memory_space<hbm>> -> memref<4096x4096xf32, #tpu.memory_space<hbm>>
    tpu.enqueue_indirect_dma source(%dma_start3A_23 : memref<4096x4096xf32, #tpu.memory_space<hbm>>) target(%dma_start3A_19 : memref<8x4096xf32, #tpu.memory_space<vmem>>) offsets(%dma_start3A_20 : memref<8xi32, #tpu.memory_space<vmem>>) semaphore(%arg13 : memref<!tpu.dma_semaphore, #tpu.memory_space<semaphore_mem>>)
    %dma_start3A_24 = tpu.memref_slice %arg7[%mul3A_2] : memref<512xi32, #tpu.memory_space<vmem>> -> memref<16xi32, #tpu.memory_space<vmem>>
    %dma_start3A_25 = arith.constant 0 : i32
    %dma_start3A_26 = arith.constant 0 : i32
    %dma_start3A_27 = tpu.memref_slice %arg3[%dma_start3A_25, %dma_start3A_26] : memref<4096x128xf32, #tpu.memory_space<hbm>> -> memref<4096x128xf32, #tpu.memory_space<hbm>>
    tpu.enqueue_indirect_dma source(%dma_start3A_27 : memref<4096x128xf32, #tpu.memory_space<hbm>>) target(%arg8 : memref<16x128xf32, #tpu.memory_space<vmem>>) offsets(%dma_start3A_24 : memref<16xi32, #tpu.memory_space<vmem>>) semaphore(%arg11 : memref<!tpu.dma_semaphore, #tpu.memory_space<semaphore_mem>>)
    %dma_wait3A = arith.constant 0 : i32
    %dma_wait3A_28 = arith.constant 0 : i32
    %dma_wait3A_29 = arith.constant 0 : i32
    %dma_wait3A_30 = tpu.memref_slice %arg9[%dma_wait3A, %dma_wait3A_28, %dma_wait3A_29] : memref<2x8x4096xf32, #tpu.memory_space<vmem>> -> memref<1x8x4096xf32, #tpu.memory_space<vmem>>
    %dma_wait3A_31 = tpu.memref_squeeze %dma_wait3A_30 : memref<1x8x4096xf32, #tpu.memory_space<vmem>> -> memref<8x4096xf32, #tpu.memory_space<vmem>>
    %dma_wait3A_32 = tpu.memref_slice %arg7[%add3A_4] : memref<512xi32, #tpu.memory_space<vmem>> -> memref<8xi32, #tpu.memory_space<vmem>>
    %dma_wait3A_33 = arith.constant 0 : i32
    %dma_wait3A_34 = arith.constant 0 : i32
    %dma_wait3A_35 = tpu.memref_slice %arg4[%dma_wait3A_33, %dma_wait3A_34] : memref<4096x4096xf32, #tpu.memory_space<hbm>> -> memref<4096x4096xf32, #tpu.memory_space<hbm>>
    tpu.wait_indirect_dma semaphore(%arg12 : memref<!tpu.dma_semaphore, #tpu.memory_space<semaphore_mem>>) src(%dma_wait3A_35 : memref<4096x4096xf32, #tpu.memory_space<hbm>>) dst(%dma_wait3A_31 : memref<8x4096xf32, #tpu.memory_space<vmem>>)
    %scan3A = arith.constant 0 : i32
    %scan3A_36 = arith.constant 0 : i32
    %scan3A_37 = arith.constant 32 : i32
    %scan3A_38 = arith.addi %scan3A_36, %scan3A_37 : i32
    %scan3A_39 = arith.constant 1 : i32
    scf.for %scan3A_92 = %scan3A_36 to %scan3A_38 step %scan3A_39  : i32 {
      %mul3A_93 = arith.constant 16 : i32
      %mul3A_94 = arith.muli %scan3A_92, %mul3A_93 : i32
      %get3A = arith.index_cast %mul3A_94 : i32 to index
      %get3A_95 = tpu.vector_load %arg7[%get3A] {strides = array<i32>} : memref<512xi32, #tpu.memory_space<vmem>>, vector<16xi32>,
      %broadcast_in_dim3A = arith.constant 0 : i32
      %broadcast_in_dim3A_96 = vector.broadcast %broadcast_in_dim3A : i32 to vector<16xi32>
      %gather3A = arith.constant 0 : i32
      %gather3A_97 = arith.constant 0 : i32
      %gather3A_98 = arith.constant 0 : i32
      %gather3A_99 = tpu.memref_slice %arg9[%gather3A, %gather3A_97, %gather3A_98] : memref<2x8x4096xf32, #tpu.memory_space<vmem>> -> memref<1x8x4096xf32, #tpu.memory_space<vmem>>
      %gather3A_100 = tpu.memref_squeeze %gather3A_99 : memref<1x8x4096xf32, #tpu.memory_space<vmem>> -> memref<8x4096xf32, #tpu.memory_space<vmem>>
      %gather3A_101 = tpu.vector_load_idx %gather3A_100[%broadcast_in_dim3A_96, %get3A_95] : memref<8x4096xf32, #tpu.memory_space<vmem>>[vector<16xi32>, vector<16xi32>], vector<16xf32>,
      %mul3A_102 = arith.constant 16 : i32
      %mul3A_103 = arith.muli %scan3A_92, %mul3A_102 : i32
      %add3A_104 = arith.constant 0 : i32
      %add3A_105 = arith.addi %add3A_104, %mul3A_103 : i32
      %swap3A = arith.index_cast %add3A_105 : i32 to index
      %swap3A_106 = tpu.vector_load %arg10[%swap3A] {strides = array<i32>} : memref<8192xf32, #tpu.memory_space<vmem>>, vector<16xf32>,
      tpu.vector_store %arg10[%swap3A], %gather3A_101 {strides = array<i32>} : memref<8192xf32, #tpu.memory_space<vmem>>, vector<16xf32>,
      %broadcast_in_dim3A_107 = arith.constant 1 : i32
      %broadcast_in_dim3A_108 = vector.broadcast %broadcast_in_dim3A_107 : i32 to vector<16xi32>
      %gather3A_109 = arith.constant 0 : i32
      %gather3A_110 = arith.constant 0 : i32
      %gather3A_111 = arith.constant 0 : i32
      %gather3A_112 = tpu.memref_slice %arg9[%gather3A_109, %gather3A_110, %gather3A_111] : memref<2x8x4096xf32, #tpu.memory_space<vmem>> -> memref<1x8x4096xf32, #tpu.memory_space<vmem>>
      %gather3A_113 = tpu.memref_squeeze %gather3A_112 : memref<1x8x4096xf32, #tpu.memory_space<vmem>> -> memref<8x4096xf32, #tpu.memory_space<vmem>>
      %gather3A_114 = tpu.vector_load_idx %gather3A_113[%broadcast_in_dim3A_108, %get3A_95] : memref<8x4096xf32, #tpu.memory_space<vmem>>[vector<16xi32>, vector<16xi32>], vector<16xf32>,
      %mul3A_115 = arith.constant 16 : i32
      %mul3A_116 = arith.muli %scan3A_92, %mul3A_115 : i32
      %add3A_117 = arith.constant 512 : i32
      %add3A_118 = arith.addi %add3A_117, %mul3A_116 : i32
      %swap3A_119 = arith.index_cast %add3A_118 : i32 to index
      %swap3A_120 = tpu.vector_load %arg10[%swap3A_119] {strides = array<i32>} : memref<8192xf32, #tpu.memory_space<vmem>>, vector<16xf32>,
      tpu.vector_store %arg10[%swap3A_119], %gather3A_114 {strides = array<i32>} : memref<8192xf32, #tpu.memory_space<vmem>>, vector<16xf32>,
      %broadcast_in_dim3A_121 = arith.constant 2 : i32
      %broadcast_in_dim3A_122 = vector.broadcast %broadcast_in_dim3A_121 : i32 to vector<16xi32>
      %gather3A_123 = arith.constant 0 : i32
      %gather3A_124 = arith.constant 0 : i32
      %gather3A_125 = arith.constant 0 : i32
      %gather3A_126 = tpu.memref_slice %arg9[%gather3A_123, %gather3A_124, %gather3A_125] : memref<2x8x4096xf32, #tpu.memory_space<vmem>> -> memref<1x8x4096xf32, #tpu.memory_space<vmem>>
      %gather3A_127 = tpu.memref_squeeze %gather3A_126 : memref<1x8x4096xf32, #tpu.memory_space<vmem>> -> memref<8x4096xf32, #tpu.memory_space<vmem>>
      %gather3A_128 = tpu.vector_load_idx %gather3A_127[%broadcast_in_dim3A_122, %get3A_95] : memref<8x4096xf32, #tpu.memory_space<vmem>>[vector<16xi32>, vector<16xi32>], vector<16xf32>,
      %mul3A_129 = arith.constant 16 : i32
      %mul3A_130 = arith.muli %scan3A_92, %mul3A_129 : i32
      %add3A_131 = arith.constant 1024 : i32
      %add3A_132 = arith.addi %add3A_131, %mul3A_130 : i32
      %swap3A_133 = arith.index_cast %add3A_132 : i32 to index
      %swap3A_134 = tpu.vector_load %arg10[%swap3A_133] {strides = array<i32>} : memref<8192xf32, #tpu.memory_space<vmem>>, vector<16xf32>,
      tpu.vector_store %arg10[%swap3A_133], %gather3A_128 {strides = array<i32>} : memref<8192xf32, #tpu.memory_space<vmem>>, vector<16xf32>,
      %broadcast_in_dim3A_135 = arith.constant 3 : i32
      %broadcast_in_dim3A_136 = vector.broadcast %broadcast_in_dim3A_135 : i32 to vector<16xi32>
      %gather3A_137 = arith.constant 0 : i32
      %gather3A_138 = arith.constant 0 : i32
      %gather3A_139 = arith.constant 0 : i32
      %gather3A_140 = tpu.memref_slice %arg9[%gather3A_137, %gather3A_138, %gather3A_139] : memref<2x8x4096xf32, #tpu.memory_space<vmem>> -> memref<1x8x4096xf32, #tpu.memory_space<vmem>>
      %gather3A_141 = tpu.memref_squeeze %gather3A_140 : memref<1x8x4096xf32, #tpu.memory_space<vmem>> -> memref<8x4096xf32, #tpu.memory_space<vmem>>
      %gather3A_142 = tpu.vector_load_idx %gather3A_141[%broadcast_in_dim3A_136, %get3A_95] : memref<8x4096xf32, #tpu.memory_space<vmem>>[vector<16xi32>, vector<16xi32>], vector<16xf32>,
      %mul3A_143 = arith.constant 16 : i32
      %mul3A_144 = arith.muli %scan3A_92, %mul3A_143 : i32
      %add3A_145 = arith.constant 1536 : i32
      %add3A_146 = arith.addi %add3A_145, %mul3A_144 : i32
      %swap3A_147 = arith.index_cast %add3A_146 : i32 to index
      %swap3A_148 = tpu.vector_load %arg10[%swap3A_147] {strides = array<i32>} : memref<8192xf32, #tpu.memory_space<vmem>>, vector<16xf32>,
      tpu.vector_store %arg10[%swap3A_147], %gather3A_142 {strides = array<i32>} : memref<8192xf32, #tpu.memory_space<vmem>>, vector<16xf32>,
      %broadcast_in_dim3A_149 = arith.constant 4 : i32
      %broadcast_in_dim3A_150 = vector.broadcast %broadcast_in_dim3A_149 : i32 to vector<16xi32>
      %gather3A_151 = arith.constant 0 : i32
      %gather3A_152 = arith.constant 0 : i32
      %gather3A_153 = arith.constant 0 : i32
      %gather3A_154 = tpu.memref_slice %arg9[%gather3A_151, %gather3A_152, %gather3A_153] : memref<2x8x4096xf32, #tpu.memory_space<vmem>> -> memref<1x8x4096xf32, #tpu.memory_space<vmem>>
      %gather3A_155 = tpu.memref_squeeze %gather3A_154 : memref<1x8x4096xf32, #tpu.memory_space<vmem>> -> memref<8x4096xf32, #tpu.memory_space<vmem>>
      %gather3A_156 = tpu.vector_load_idx %gather3A_155[%broadcast_in_dim3A_150, %get3A_95] : memref<8x4096xf32, #tpu.memory_space<vmem>>[vector<16xi32>, vector<16xi32>], vector<16xf32>,
      %mul3A_157 = arith.constant 16 : i32
      %mul3A_158 = arith.muli %scan3A_92, %mul3A_157 : i32
      %add3A_159 = arith.constant 2048 : i32
      %add3A_160 = arith.addi %add3A_159, %mul3A_158 : i32
      %swap3A_161 = arith.index_cast %add3A_160 : i32 to index
      %swap3A_162 = tpu.vector_load %arg10[%swap3A_161] {strides = array<i32>} : memref<8192xf32, #tpu.memory_space<vmem>>, vector<16xf32>,
      tpu.vector_store %arg10[%swap3A_161], %gather3A_156 {strides = array<i32>} : memref<8192xf32, #tpu.memory_space<vmem>>, vector<16xf32>,
      %broadcast_in_dim3A_163 = arith.constant 5 : i32
      %broadcast_in_dim3A_164 = vector.broadcast %broadcast_in_dim3A_163 : i32 to vector<16xi32>
      %gather3A_165 = arith.constant 0 : i32
      %gather3A_166 = arith.constant 0 : i32
      %gather3A_167 = arith.constant 0 : i32
      %gather3A_168 = tpu.memref_slice %arg9[%gather3A_165, %gather3A_166, %gather3A_167] : memref<2x8x4096xf32, #tpu.memory_space<vmem>> -> memref<1x8x4096xf32, #tpu.memory_space<vmem>>
      %gather3A_169 = tpu.memref_squeeze %gather3A_168 : memref<1x8x4096xf32, #tpu.memory_space<vmem>> -> memref<8x4096xf32, #tpu.memory_space<vmem>>
      %gather3A_170 = tpu.vector_load_idx %gather3A_169[%broadcast_in_dim3A_164, %get3A_95] : memref<8x4096xf32, #tpu.memory_space<vmem>>[vector<16xi32>, vector<16xi32>], vector<16xf32>,
      %mul3A_171 = arith.constant 16 : i32
      %mul3A_172 = arith.muli %scan3A_92, %mul3A_171 : i32
      %add3A_173 = arith.constant 2560 : i32
      %add3A_174 = arith.addi %add3A_173, %mul3A_172 : i32
      %swap3A_175 = arith.index_cast %add3A_174 : i32 to index
      %swap3A_176 = tpu.vector_load %arg10[%swap3A_175] {strides = array<i32>} : memref<8192xf32, #tpu.memory_space<vmem>>, vector<16xf32>,
      tpu.vector_store %arg10[%swap3A_175], %gather3A_170 {strides = array<i32>} : memref<8192xf32, #tpu.memory_space<vmem>>, vector<16xf32>,
      %broadcast_in_dim3A_177 = arith.constant 6 : i32
      %broadcast_in_dim3A_178 = vector.broadcast %broadcast_in_dim3A_177 : i32 to vector<16xi32>
      %gather3A_179 = arith.constant 0 : i32
      %gather3A_180 = arith.constant 0 : i32
      %gather3A_181 = arith.constant 0 : i32
      %gather3A_182 = tpu.memref_slice %arg9[%gather3A_179, %gather3A_180, %gather3A_181] : memref<2x8x4096xf32, #tpu.memory_space<vmem>> -> memref<1x8x4096xf32, #tpu.memory_space<vmem>>
      %gather3A_183 = tpu.memref_squeeze %gather3A_182 : memref<1x8x4096xf32, #tpu.memory_space<vmem>> -> memref<8x4096xf32, #tpu.memory_space<vmem>>
      %gather3A_184 = tpu.vector_load_idx %gather3A_183[%broadcast_in_dim3A_178, %get3A_95] : memref<8x4096xf32, #tpu.memory_space<vmem>>[vector<16xi32>, vector<16xi32>], vector<16xf32>,
      %mul3A_185 = arith.constant 16 : i32
      %mul3A_186 = arith.muli %scan3A_92, %mul3A_185 : i32
      %add3A_187 = arith.constant 3072 : i32
      %add3A_188 = arith.addi %add3A_187, %mul3A_186 : i32
      %swap3A_189 = arith.index_cast %add3A_188 : i32 to index
      %swap3A_190 = tpu.vector_load %arg10[%swap3A_189] {strides = array<i32>} : memref<8192xf32, #tpu.memory_space<vmem>>, vector<16xf32>,
      tpu.vector_store %arg10[%swap3A_189], %gather3A_184 {strides = array<i32>} : memref<8192xf32, #tpu.memory_space<vmem>>, vector<16xf32>,
      %broadcast_in_dim3A_191 = arith.constant 7 : i32
      %broadcast_in_dim3A_192 = vector.broadcast %broadcast_in_dim3A_191 : i32 to vector<16xi32>
      %gather3A_193 = arith.constant 0 : i32
      %gather3A_194 = arith.constant 0 : i32
      %gather3A_195 = arith.constant 0 : i32
      %gather3A_196 = tpu.memref_slice %arg9[%gather3A_193, %gather3A_194, %gather3A_195] : memref<2x8x4096xf32, #tpu.memory_space<vmem>> -> memref<1x8x4096xf32, #tpu.memory_space<vmem>>
      %gather3A_197 = tpu.memref_squeeze %gather3A_196 : memref<1x8x4096xf32, #tpu.memory_space<vmem>> -> memref<8x4096xf32, #tpu.memory_space<vmem>>
      %gather3A_198 = tpu.vector_load_idx %gather3A_197[%broadcast_in_dim3A_192, %get3A_95] : memref<8x4096xf32, #tpu.memory_space<vmem>>[vector<16xi32>, vector<16xi32>], vector<16xf32>,
      %mul3A_199 = arith.constant 16 : i32
      %mul3A_200 = arith.muli %scan3A_92, %mul3A_199 : i32
      %add3A_201 = arith.constant 3584 : i32
      %add3A_202 = arith.addi %add3A_201, %mul3A_200 : i32
      %swap3A_203 = arith.index_cast %add3A_202 : i32 to index
      %swap3A_204 = tpu.vector_load %arg10[%swap3A_203] {strides = array<i32>} : memref<8192xf32, #tpu.memory_space<vmem>>, vector<16xf32>,
      tpu.vector_store %arg10[%swap3A_203], %gather3A_198 {strides = array<i32>} : memref<8192xf32, #tpu.memory_space<vmem>>, vector<16xf32>,
    }
    %scan3A_40 = arith.constant 32 : i32
    %add3A_41 = arith.constant 0 : i32
    %add3A_42 = arith.addi %mul3A_2, %add3A_41 : i32
    %mul3A_43 = arith.constant 512 : i32
    %mul3A_44 = arith.muli %add3A_42, %mul3A_43 : i32
    %dma_start3A_45 = arith.constant 0 : i32
    %dma_start3A_46 = tpu.memref_slice %arg10[%dma_start3A_45] : memref<8192xf32, #tpu.memory_space<vmem>> -> memref<4096xf32, #tpu.memory_space<vmem>>
    %dma_start3A_47 = tpu.memref_slice %arg6[%mul3A_44] : memref<262144xf32, #tpu.memory_space<hbm>> -> memref<4096xf32, #tpu.memory_space<hbm>>
    %dma_start3A_48 = tpu.memref_slice %arg6[%mul3A_44] : memref<262144xf32, #tpu.memory_space<hbm>> -> memref<4096xf32, #tpu.memory_space<hbm>>
    %dma_start3A_49 = arith.constant 0 : i32
    %dma_start3A_50 = tpu.memref_slice %arg10[%dma_start3A_49] : memref<8192xf32, #tpu.memory_space<vmem>> -> memref<4096xf32, #tpu.memory_space<vmem>>
    tpu.enqueue_dma source(%dma_start3A_50 : memref<4096xf32, #tpu.memory_space<vmem>>) target(%dma_start3A_48 : memref<4096xf32, #tpu.memory_space<hbm>>) target_semaphore(%arg14 : memref<!tpu.dma_semaphore, #tpu.memory_space<semaphore_mem>>)
    %dma_wait3A_51 = arith.constant 1 : i32
    %dma_wait3A_52 = arith.constant 0 : i32
    %dma_wait3A_53 = arith.constant 0 : i32
    %dma_wait3A_54 = tpu.memref_slice %arg9[%dma_wait3A_51, %dma_wait3A_52, %dma_wait3A_53] : memref<2x8x4096xf32, #tpu.memory_space<vmem>> -> memref<1x8x4096xf32, #tpu.memory_space<vmem>>
    %dma_wait3A_55 = tpu.memref_squeeze %dma_wait3A_54 : memref<1x8x4096xf32, #tpu.memory_space<vmem>> -> memref<8x4096xf32, #tpu.memory_space<vmem>>
    %dma_wait3A_56 = tpu.memref_slice %arg7[%add3A_14] : memref<512xi32, #tpu.memory_space<vmem>> -> memref<8xi32, #tpu.memory_space<vmem>>
    %dma_wait3A_57 = arith.constant 0 : i32
    %dma_wait3A_58 = arith.constant 0 : i32
    %dma_wait3A_59 = tpu.memref_slice %arg4[%dma_wait3A_57, %dma_wait3A_58] : memref<4096x4096xf32, #tpu.memory_space<hbm>> -> memref<4096x4096xf32, #tpu.memory_space<hbm>>
    tpu.wait_indirect_dma semaphore(%arg13 : memref<!tpu.dma_semaphore, #tpu.memory_space<semaphore_mem>>) src(%dma_wait3A_59 : memref<4096x4096xf32, #tpu.memory_space<hbm>>) dst(%dma_wait3A_55 : memref<8x4096xf32, #tpu.memory_space<vmem>>)
    %scan3A_60 = arith.constant 0 : i32
    %scan3A_61 = arith.constant 0 : i32
    %scan3A_62 = arith.constant 32 : i32
    %scan3A_63 = arith.addi %scan3A_61, %scan3A_62 : i32
    %scan3A_64 = arith.constant 1 : i32
    scf.for %scan3A_92 = %scan3A_61 to %scan3A_63 step %scan3A_64  : i32 {
      %mul3A_93 = arith.constant 16 : i32
      %mul3A_94 = arith.muli %scan3A_92, %mul3A_93 : i32
      %get3A = arith.index_cast %mul3A_94 : i32 to index
      %get3A_95 = tpu.vector_load %arg7[%get3A] {strides = array<i32>} : memref<512xi32, #tpu.memory_space<vmem>>, vector<16xi32>,
      %broadcast_in_dim3A = arith.constant 0 : i32
      %broadcast_in_dim3A_96 = vector.broadcast %broadcast_in_dim3A : i32 to vector<16xi32>
      %gather3A = arith.constant 1 : i32
      %gather3A_97 = arith.constant 0 : i32
      %gather3A_98 = arith.constant 0 : i32
      %gather3A_99 = tpu.memref_slice %arg9[%gather3A, %gather3A_97, %gather3A_98] : memref<2x8x4096xf32, #tpu.memory_space<vmem>> -> memref<1x8x4096xf32, #tpu.memory_space<vmem>>
      %gather3A_100 = tpu.memref_squeeze %gather3A_99 : memref<1x8x4096xf32, #tpu.memory_space<vmem>> -> memref<8x4096xf32, #tpu.memory_space<vmem>>
      %gather3A_101 = tpu.vector_load_idx %gather3A_100[%broadcast_in_dim3A_96, %get3A_95] : memref<8x4096xf32, #tpu.memory_space<vmem>>[vector<16xi32>, vector<16xi32>], vector<16xf32>,
      %mul3A_102 = arith.constant 16 : i32
      %mul3A_103 = arith.muli %scan3A_92, %mul3A_102 : i32
      %add3A_104 = arith.constant 4096 : i32
      %add3A_105 = arith.addi %add3A_104, %mul3A_103 : i32
      %swap3A = arith.index_cast %add3A_105 : i32 to index
      %swap3A_106 = tpu.vector_load %arg10[%swap3A] {strides = array<i32>} : memref<8192xf32, #tpu.memory_space<vmem>>, vector<16xf32>,
      tpu.vector_store %arg10[%swap3A], %gather3A_101 {strides = array<i32>} : memref<8192xf32, #tpu.memory_space<vmem>>, vector<16xf32>,
      %broadcast_in_dim3A_107 = arith.constant 1 : i32
      %broadcast_in_dim3A_108 = vector.broadcast %broadcast_in_dim3A_107 : i32 to vector<16xi32>
      %gather3A_109 = arith.constant 1 : i32
      %gather3A_110 = arith.constant 0 : i32
      %gather3A_111 = arith.constant 0 : i32
      %gather3A_112 = tpu.memref_slice %arg9[%gather3A_109, %gather3A_110, %gather3A_111] : memref<2x8x4096xf32, #tpu.memory_space<vmem>> -> memref<1x8x4096xf32, #tpu.memory_space<vmem>>
      %gather3A_113 = tpu.memref_squeeze %gather3A_112 : memref<1x8x4096xf32, #tpu.memory_space<vmem>> -> memref<8x4096xf32, #tpu.memory_space<vmem>>
      %gather3A_114 = tpu.vector_load_idx %gather3A_113[%broadcast_in_dim3A_108, %get3A_95] : memref<8x4096xf32, #tpu.memory_space<vmem>>[vector<16xi32>, vector<16xi32>], vector<16xf32>,
      %mul3A_115 = arith.constant 16 : i32
      %mul3A_116 = arith.muli %scan3A_92, %mul3A_115 : i32
      %add3A_117 = arith.constant 4608 : i32
      %add3A_118 = arith.addi %add3A_117, %mul3A_116 : i32
      %swap3A_119 = arith.index_cast %add3A_118 : i32 to index
      %swap3A_120 = tpu.vector_load %arg10[%swap3A_119] {strides = array<i32>} : memref<8192xf32, #tpu.memory_space<vmem>>, vector<16xf32>,
      tpu.vector_store %arg10[%swap3A_119], %gather3A_114 {strides = array<i32>} : memref<8192xf32, #tpu.memory_space<vmem>>, vector<16xf32>,
      %broadcast_in_dim3A_121 = arith.constant 2 : i32
      %broadcast_in_dim3A_122 = vector.broadcast %broadcast_in_dim3A_121 : i32 to vector<16xi32>
      %gather3A_123 = arith.constant 1 : i32
      %gather3A_124 = arith.constant 0 : i32
      %gather3A_125 = arith.constant 0 : i32
      %gather3A_126 = tpu.memref_slice %arg9[%gather3A_123, %gather3A_124, %gather3A_125] : memref<2x8x4096xf32, #tpu.memory_space<vmem>> -> memref<1x8x4096xf32, #tpu.memory_space<vmem>>
      %gather3A_127 = tpu.memref_squeeze %gather3A_126 : memref<1x8x4096xf32, #tpu.memory_space<vmem>> -> memref<8x4096xf32, #tpu.memory_space<vmem>>
      %gather3A_128 = tpu.vector_load_idx %gather3A_127[%broadcast_in_dim3A_122, %get3A_95] : memref<8x4096xf32, #tpu.memory_space<vmem>>[vector<16xi32>, vector<16xi32>], vector<16xf32>,
      %mul3A_129 = arith.constant 16 : i32
      %mul3A_130 = arith.muli %scan3A_92, %mul3A_129 : i32
      %add3A_131 = arith.constant 5120 : i32
      %add3A_132 = arith.addi %add3A_131, %mul3A_130 : i32
      %swap3A_133 = arith.index_cast %add3A_132 : i32 to index
      %swap3A_134 = tpu.vector_load %arg10[%swap3A_133] {strides = array<i32>} : memref<8192xf32, #tpu.memory_space<vmem>>, vector<16xf32>,
      tpu.vector_store %arg10[%swap3A_133], %gather3A_128 {strides = array<i32>} : memref<8192xf32, #tpu.memory_space<vmem>>, vector<16xf32>,
      %broadcast_in_dim3A_135 = arith.constant 3 : i32
      %broadcast_in_dim3A_136 = vector.broadcast %broadcast_in_dim3A_135 : i32 to vector<16xi32>
      %gather3A_137 = arith.constant 1 : i32
      %gather3A_138 = arith.constant 0 : i32
      %gather3A_139 = arith.constant 0 : i32
      %gather3A_140 = tpu.memref_slice %arg9[%gather3A_137, %gather3A_138, %gather3A_139] : memref<2x8x4096xf32, #tpu.memory_space<vmem>> -> memref<1x8x4096xf32, #tpu.memory_space<vmem>>
      %gather3A_141 = tpu.memref_squeeze %gather3A_140 : memref<1x8x4096xf32, #tpu.memory_space<vmem>> -> memref<8x4096xf32, #tpu.memory_space<vmem>>
      %gather3A_142 = tpu.vector_load_idx %gather3A_141[%broadcast_in_dim3A_136, %get3A_95] : memref<8x4096xf32, #tpu.memory_space<vmem>>[vector<16xi32>, vector<16xi32>], vector<16xf32>,
      %mul3A_143 = arith.constant 16 : i32
      %mul3A_144 = arith.muli %scan3A_92, %mul3A_143 : i32
      %add3A_145 = arith.constant 5632 : i32
      %add3A_146 = arith.addi %add3A_145, %mul3A_144 : i32
      %swap3A_147 = arith.index_cast %add3A_146 : i32 to index
      %swap3A_148 = tpu.vector_load %arg10[%swap3A_147] {strides = array<i32>} : memref<8192xf32, #tpu.memory_space<vmem>>, vector<16xf32>,
      tpu.vector_store %arg10[%swap3A_147], %gather3A_142 {strides = array<i32>} : memref<8192xf32, #tpu.memory_space<vmem>>, vector<16xf32>,
      %broadcast_in_dim3A_149 = arith.constant 4 : i32
      %broadcast_in_dim3A_150 = vector.broadcast %broadcast_in_dim3A_149 : i32 to vector<16xi32>
      %gather3A_151 = arith.constant 1 : i32
      %gather3A_152 = arith.constant 0 : i32
      %gather3A_153 = arith.constant 0 : i32
      %gather3A_154 = tpu.memref_slice %arg9[%gather3A_151, %gather3A_152, %gather3A_153] : memref<2x8x4096xf32, #tpu.memory_space<vmem>> -> memref<1x8x4096xf32, #tpu.memory_space<vmem>>
      %gather3A_155 = tpu.memref_squeeze %gather3A_154 : memref<1x8x4096xf32, #tpu.memory_space<vmem>> -> memref<8x4096xf32, #tpu.memory_space<vmem>>
      %gather3A_156 = tpu.vector_load_idx %gather3A_155[%broadcast_in_dim3A_150, %get3A_95] : memref<8x4096xf32, #tpu.memory_space<vmem>>[vector<16xi32>, vector<16xi32>], vector<16xf32>,
      %mul3A_157 = arith.constant 16 : i32
      %mul3A_158 = arith.muli %scan3A_92, %mul3A_157 : i32
      %add3A_159 = arith.constant 6144 : i32
      %add3A_160 = arith.addi %add3A_159, %mul3A_158 : i32
      %swap3A_161 = arith.index_cast %add3A_160 : i32 to index
      %swap3A_162 = tpu.vector_load %arg10[%swap3A_161] {strides = array<i32>} : memref<8192xf32, #tpu.memory_space<vmem>>, vector<16xf32>,
      tpu.vector_store %arg10[%swap3A_161], %gather3A_156 {strides = array<i32>} : memref<8192xf32, #tpu.memory_space<vmem>>, vector<16xf32>,
      %broadcast_in_dim3A_163 = arith.constant 5 : i32
      %broadcast_in_dim3A_164 = vector.broadcast %broadcast_in_dim3A_163 : i32 to vector<16xi32>
      %gather3A_165 = arith.constant 1 : i32
      %gather3A_166 = arith.constant 0 : i32
      %gather3A_167 = arith.constant 0 : i32
      %gather3A_168 = tpu.memref_slice %arg9[%gather3A_165, %gather3A_166, %gather3A_167] : memref<2x8x4096xf32, #tpu.memory_space<vmem>> -> memref<1x8x4096xf32, #tpu.memory_space<vmem>>
      %gather3A_169 = tpu.memref_squeeze %gather3A_168 : memref<1x8x4096xf32, #tpu.memory_space<vmem>> -> memref<8x4096xf32, #tpu.memory_space<vmem>>
      %gather3A_170 = tpu.vector_load_idx %gather3A_169[%broadcast_in_dim3A_164, %get3A_95] : memref<8x4096xf32, #tpu.memory_space<vmem>>[vector<16xi32>, vector<16xi32>], vector<16xf32>,
      %mul3A_171 = arith.constant 16 : i32
      %mul3A_172 = arith.muli %scan3A_92, %mul3A_171 : i32
      %add3A_173 = arith.constant 6656 : i32
      %add3A_174 = arith.addi %add3A_173, %mul3A_172 : i32
      %swap3A_175 = arith.index_cast %add3A_174 : i32 to index
      %swap3A_176 = tpu.vector_load %arg10[%swap3A_175] {strides = array<i32>} : memref<8192xf32, #tpu.memory_space<vmem>>, vector<16xf32>,
      tpu.vector_store %arg10[%swap3A_175], %gather3A_170 {strides = array<i32>} : memref<8192xf32, #tpu.memory_space<vmem>>, vector<16xf32>,
      %broadcast_in_dim3A_177 = arith.constant 6 : i32
      %broadcast_in_dim3A_178 = vector.broadcast %broadcast_in_dim3A_177 : i32 to vector<16xi32>
      %gather3A_179 = arith.constant 1 : i32
      %gather3A_180 = arith.constant 0 : i32
      %gather3A_181 = arith.constant 0 : i32
      %gather3A_182 = tpu.memref_slice %arg9[%gather3A_179, %gather3A_180, %gather3A_181] : memref<2x8x4096xf32, #tpu.memory_space<vmem>> -> memref<1x8x4096xf32, #tpu.memory_space<vmem>>
      %gather3A_183 = tpu.memref_squeeze %gather3A_182 : memref<1x8x4096xf32, #tpu.memory_space<vmem>> -> memref<8x4096xf32, #tpu.memory_space<vmem>>
      %gather3A_184 = tpu.vector_load_idx %gather3A_183[%broadcast_in_dim3A_178, %get3A_95] : memref<8x4096xf32, #tpu.memory_space<vmem>>[vector<16xi32>, vector<16xi32>], vector<16xf32>,
      %mul3A_185 = arith.constant 16 : i32
      %mul3A_186 = arith.muli %scan3A_92, %mul3A_185 : i32
      %add3A_187 = arith.constant 7168 : i32
      %add3A_188 = arith.addi %add3A_187, %mul3A_186 : i32
      %swap3A_189 = arith.index_cast %add3A_188 : i32 to index
      %swap3A_190 = tpu.vector_load %arg10[%swap3A_189] {strides = array<i32>} : memref<8192xf32, #tpu.memory_space<vmem>>, vector<16xf32>,
      tpu.vector_store %arg10[%swap3A_189], %gather3A_184 {strides = array<i32>} : memref<8192xf32, #tpu.memory_space<vmem>>, vector<16xf32>,
      %broadcast_in_dim3A_191 = arith.constant 7 : i32
      %broadcast_in_dim3A_192 = vector.broadcast %broadcast_in_dim3A_191 : i32 to vector<16xi32>
      %gather3A_193 = arith.constant 1 : i32
      %gather3A_194 = arith.constant 0 : i32
      %gather3A_195 = arith.constant 0 : i32
      %gather3A_196 = tpu.memref_slice %arg9[%gather3A_193, %gather3A_194, %gather3A_195] : memref<2x8x4096xf32, #tpu.memory_space<vmem>> -> memref<1x8x4096xf32, #tpu.memory_space<vmem>>
      %gather3A_197 = tpu.memref_squeeze %gather3A_196 : memref<1x8x4096xf32, #tpu.memory_space<vmem>> -> memref<8x4096xf32, #tpu.memory_space<vmem>>
      %gather3A_198 = tpu.vector_load_idx %gather3A_197[%broadcast_in_dim3A_192, %get3A_95] : memref<8x4096xf32, #tpu.memory_space<vmem>>[vector<16xi32>, vector<16xi32>], vector<16xf32>,
      %mul3A_199 = arith.constant 16 : i32
      %mul3A_200 = arith.muli %scan3A_92, %mul3A_199 : i32
      %add3A_201 = arith.constant 7680 : i32
      %add3A_202 = arith.addi %add3A_201, %mul3A_200 : i32
      %swap3A_203 = arith.index_cast %add3A_202 : i32 to index
      %swap3A_204 = tpu.vector_load %arg10[%swap3A_203] {strides = array<i32>} : memref<8192xf32, #tpu.memory_space<vmem>>, vector<16xf32>,
      tpu.vector_store %arg10[%swap3A_203], %gather3A_198 {strides = array<i32>} : memref<8192xf32, #tpu.memory_space<vmem>>, vector<16xf32>,
    }
    %scan3A_65 = arith.constant 32 : i32
    %add3A_66 = arith.constant 8 : i32
    %add3A_67 = arith.addi %mul3A_2, %add3A_66 : i32
    %mul3A_68 = arith.constant 512 : i32
    %mul3A_69 = arith.muli %add3A_67, %mul3A_68 : i32
    %dma_start3A_70 = arith.constant 4096 : i32
    %dma_start3A_71 = tpu.memref_slice %arg10[%dma_start3A_70] : memref<8192xf32, #tpu.memory_space<vmem>> -> memref<4096xf32, #tpu.memory_space<vmem>>
    %dma_start3A_72 = tpu.memref_slice %arg6[%mul3A_69] : memref<262144xf32, #tpu.memory_space<hbm>> -> memref<4096xf32, #tpu.memory_space<hbm>>
    %dma_start3A_73 = tpu.memref_slice %arg6[%mul3A_69] : memref<262144xf32, #tpu.memory_space<hbm>> -> memref<4096xf32, #tpu.memory_space<hbm>>
    %dma_start3A_74 = arith.constant 4096 : i32
    %dma_start3A_75 = tpu.memref_slice %arg10[%dma_start3A_74] : memref<8192xf32, #tpu.memory_space<vmem>> -> memref<4096xf32, #tpu.memory_space<vmem>>
    tpu.enqueue_dma source(%dma_start3A_75 : memref<4096xf32, #tpu.memory_space<vmem>>) target(%dma_start3A_73 : memref<4096xf32, #tpu.memory_space<hbm>>) target_semaphore(%arg14 : memref<!tpu.dma_semaphore, #tpu.memory_space<semaphore_mem>>)
    %dma_wait3A_76 = tpu.memref_slice %arg7[%mul3A_2] : memref<512xi32, #tpu.memory_space<vmem>> -> memref<16xi32, #tpu.memory_space<vmem>>
    %dma_wait3A_77 = arith.constant 0 : i32
    %dma_wait3A_78 = arith.constant 0 : i32
    %dma_wait3A_79 = tpu.memref_slice %arg3[%dma_wait3A_77, %dma_wait3A_78] : memref<4096x128xf32, #tpu.memory_space<hbm>> -> memref<4096x128xf32, #tpu.memory_space<hbm>>
    tpu.wait_indirect_dma semaphore(%arg11 : memref<!tpu.dma_semaphore, #tpu.memory_space<semaphore_mem>>) src(%dma_wait3A_79 : memref<4096x128xf32, #tpu.memory_space<hbm>>) dst(%arg8 : memref<16x128xf32, #tpu.memory_space<vmem>>)
    "tpu.region"() ({
      %run_scoped3A = tpu.sem_alloc : memref<!tpu.dma_semaphore, #tpu.memory_space<semaphore_mem>>
      %dma_start3A_92 = arith.constant 0 : i32
      %dma_start3A_93 = tpu.memref_slice %arg5[%mul3A_2, %dma_start3A_92] : memref<512x128xf32, #tpu.memory_space<hbm>> -> memref<16x128xf32, #tpu.memory_space<hbm>>
      %dma_start3A_94 = arith.constant 0 : i32
      %dma_start3A_95 = tpu.memref_slice %arg5[%mul3A_2, %dma_start3A_94] : memref<512x128xf32, #tpu.memory_space<hbm>> -> memref<16x128xf32, #tpu.memory_space<hbm>>
      tpu.enqueue_dma source(%arg8 : memref<16x128xf32, #tpu.memory_space<vmem>>) target(%dma_start3A_95 : memref<16x128xf32, #tpu.memory_space<hbm>>) target_semaphore(%run_scoped3A : memref<!tpu.dma_semaphore, #tpu.memory_space<semaphore_mem>>)
      %dma_wait3A_96 = arith.constant 0 : i32
      %dma_wait3A_97 = tpu.memref_slice %arg5[%mul3A_2, %dma_wait3A_96] : memref<512x128xf32, #tpu.memory_space<hbm>> -> memref<16x128xf32, #tpu.memory_space<hbm>>
      %dma_wait3A_98 = arith.constant 0 : i32
      %dma_wait3A_99 = tpu.memref_slice %arg5[%mul3A_2, %dma_wait3A_98] : memref<512x128xf32, #tpu.memory_space<hbm>> -> memref<16x128xf32, #tpu.memory_space<hbm>>
      tpu.wait_dma2 semaphore(%run_scoped3A : memref<!tpu.dma_semaphore, #tpu.memory_space<semaphore_mem>>) src(%arg8 : memref<16x128xf32, #tpu.memory_space<vmem>>) dst(%dma_wait3A_99 : memref<16x128xf32, #tpu.memory_space<hbm>>)
      tpu.yield
    }) : () -> ()
    %dma_wait3A_80 = arith.constant 0 : i32
    %dma_wait3A_81 = tpu.memref_slice %arg10[%dma_wait3A_80] : memref<8192xf32, #tpu.memory_space<vmem>> -> memref<4096xf32, #tpu.memory_space<vmem>>
    %dma_wait3A_82 = tpu.memref_slice %arg6[%mul3A_44] : memref<262144xf32, #tpu.memory_space<hbm>> -> memref<4096xf32, #tpu.memory_space<hbm>>
    %dma_wait3A_83 = tpu.memref_slice %arg6[%mul3A_44] : memref<262144xf32, #tpu.memory_space<hbm>> -> memref<4096xf32, #tpu.memory_space<hbm>>
    %dma_wait3A_84 = arith.constant 0 : i32
    %dma_wait3A_85 = tpu.memref_slice %arg10[%dma_wait3A_84] : memref<8192xf32, #tpu.memory_space<vmem>> -> memref<4096xf32, #tpu.memory_space<vmem>>
    tpu.wait_dma2 semaphore(%arg14 : memref<!tpu.dma_semaphore, #tpu.memory_space<semaphore_mem>>) src(%dma_wait3A_85 : memref<4096xf32, #tpu.memory_space<vmem>>) dst(%dma_wait3A_83 : memref<4096xf32, #tpu.memory_space<hbm>>)
    %dma_wait3A_86 = arith.constant 4096 : i32
    %dma_wait3A_87 = tpu.memref_slice %arg10[%dma_wait3A_86] : memref<8192xf32, #tpu.memory_space<vmem>> -> memref<4096xf32, #tpu.memory_space<vmem>>
    %dma_wait3A_88 = tpu.memref_slice %arg6[%mul3A_69] : memref<262144xf32, #tpu.memory_space<hbm>> -> memref<4096xf32, #tpu.memory_space<hbm>>
    %dma_wait3A_89 = tpu.memref_slice %arg6[%mul3A_69] : memref<262144xf32, #tpu.memory_space<hbm>> -> memref<4096xf32, #tpu.memory_space<hbm>>
    %dma_wait3A_90 = arith.constant 4096 : i32
    %dma_wait3A_91 = tpu.memref_slice %arg10[%dma_wait3A_90] : memref<8192xf32, #tpu.memory_space<vmem>> -> memref<4096xf32, #tpu.memory_space<vmem>>
    tpu.wait_dma2 semaphore(%arg14 : memref<!tpu.dma_semaphore, #tpu.memory_space<semaphore_mem>>) src(%dma_wait3A_91 : memref<4096xf32, #tpu.memory_space<vmem>>) dst(%dma_wait3A_89 : memref<4096xf32, #tpu.memory_space<hbm>>)
    return
  }
}

module attributes {stable_mosaic.version = 14 : i64} {
  func.func @_tc_loss_body(%arg0: memref<512x128xf32, #tpu.memory_space<vmem>>, %arg1: memref<512x512xf32, #tpu.memory_space<vmem>>, %arg2: memref<f32, #tpu.memory_space<smem>>) attributes {dimension_semantics = [], scalar_prefetch = 0 : i64, scratch_operands = 0 : i64, tpu.core_type = #tpu.core_type<tc>} {
    %get3A = arith.constant 0 : index
    %get3A_0 = arith.constant 0 : index
    %get3A_1 = vector.load %arg0[%get3A, %get3A_0] : memref<512x128xf32, #tpu.memory_space<vmem>>, vector<512x128xf32>
    %get3A_2 = arith.constant 0 : index
    %get3A_3 = arith.constant 0 : index
    %get3A_4 = vector.load %arg1[%get3A_2, %get3A_3] : memref<512x512xf32, #tpu.memory_space<vmem>>, vector<512x512xf32>
    %mul3A = arith.mulf %get3A_1, %get3A_1 : vector<512x128xf32>
    %reduce_sum3A = arith.constant dense<0.000000e+00> : vector<512xf32>
    %reduce_sum3A_5 = vector.multi_reduction <add>, %mul3A, %reduce_sum3A [1] : vector<512x128xf32> to vector<512xf32>
    %broadcast_in_dim3A = vector.shape_cast %reduce_sum3A_5 : vector<512xf32> to vector<512x1xf32>
    %broadcast_in_dim3A_6 = arith.constant 1.000000e+00 : f32
    %broadcast_in_dim3A_7 = vector.broadcast %broadcast_in_dim3A_6 : f32 to vector<1x128xf32>
    %dot_general3A = arith.constant dense<0.000000e+00> : vector<1x512xf32>
    %dot_general3A_8 = tpu.matmul %broadcast_in_dim3A_7, %mul3A, %dot_general3A {dimension_numbers = #tpu.dot_dimension_numbers<[1], [1], [0], [0], [0, 0, 1, 0], [], []>, precision = #tpu.contract_precision<fp32>, transpose_lhs_hint = false} : vector<1x128xf32>, vector<512x128xf32>, vector<1x512xf32> -> vector<1x512xf32>
    %dot_general3A_9 = arith.constant dense<0.000000e+00> : vector<512x512xf32>
    %dot_general3A_10 = tpu.matmul %get3A_1, %get3A_1, %dot_general3A_9 {dimension_numbers = #tpu.dot_dimension_numbers<[1], [1], [0], [0], [0, 0, 1, 0], [], []>, precision = #tpu.contract_precision<fp32>, transpose_lhs_hint = false} : vector<512x128xf32>, vector<512x128xf32>, vector<512x512xf32> -> vector<512x512xf32>
    %add3A = vector.broadcast %broadcast_in_dim3A : vector<512x1xf32> to vector<512x512xf32>
    %add3A_11 = vector.broadcast %dot_general3A_8 : vector<1x512xf32> to vector<512x512xf32>
    %add3A_12 = arith.addf %add3A, %add3A_11 : vector<512x512xf32>
    %mul3A_13 = arith.constant 2.000000e+00 : f32
    %mul3A_14 = vector.broadcast %mul3A_13 : f32 to vector<512x512xf32>
    %mul3A_15 = arith.mulf %mul3A_14, %dot_general3A_10 : vector<512x512xf32>
    %sub3A = arith.subf %add3A_12, %mul3A_15 : vector<512x512xf32>
    %max3A = arith.constant 0.000000e+00 : f32
    %max3A_16 = vector.broadcast %max3A : f32 to vector<512x512xf32>
    %max3A_17 = arith.maximumf %sub3A, %max3A_16 : vector<512x512xf32>
    %add3A_18 = arith.constant 9.99999996E-13 : f32
    %add3A_19 = vector.broadcast %add3A_18 : f32 to vector<512x512xf32>
    %add3A_20 = arith.addf %max3A_17, %add3A_19 : vector<512x512xf32>
    %mul3A_21 = arith.mulf %get3A_4, %get3A_4 : vector<512x512xf32>
    %div3A = arith.divf %add3A_20, %mul3A_21 : vector<512x512xf32>
    %sub3A_22 = arith.constant 1.000000e+00 : f32
    %sub3A_23 = vector.broadcast %sub3A_22 : f32 to vector<512x512xf32>
    %sub3A_24 = arith.subf %div3A, %sub3A_23 : vector<512x512xf32>
    %abs3A = math.absf %sub3A_24 : vector<512x512xf32>
    %iota3A = tpu.iota {dimensions = array<i32: 0>} : vector<512x512xi32>
    %iota3A_25 = tpu.iota {dimensions = array<i32: 1>} : vector<512x512xi32>
    %gt3A = arith.cmpi sgt, %iota3A_25, %iota3A : vector<512x512xi32>
    %jit3A = arith.constant 0.000000e+00 : f32
    %broadcast_in_dim3A_26 = vector.broadcast %jit3A : f32 to vector<512x512xf32>
    %select_n3A = arith.select %gt3A, %abs3A, %broadcast_in_dim3A_26 : vector<512x512xi1>, vector<512x512xf32>
    %reduce_sum3A_27 = vector.shape_cast %select_n3A : vector<512x512xf32> to vector<1x512x512xf32>
    %reduce_sum3A_28 = arith.constant dense<0.000000e+00> : vector<1xf32>
    %reduce_sum3A_29 = vector.multi_reduction <add>, %reduce_sum3A_27, %reduce_sum3A_28 [1, 2] : vector<1x512x512xf32> to vector<1xf32>
    %reduce_sum3A_30 = vector.shape_cast %reduce_sum3A_29 : vector<1xf32> to vector<1x1x1xf32>
    %reduce_sum3A_31 = vector.extract %reduce_sum3A_30[0, 0, 0] : f32 from vector<1x1x1xf32>
    %swap3A = memref.load %arg2[] : memref<f32, #tpu.memory_space<smem>>
    memref.store %reduce_sum3A_31, %arg2[] : memref<f32, #tpu.memory_space<smem>>
    return
  }
}

</mosaic_0001>

<sc_bundles>
// kernel: kernel.4.cloned.1.call-start
scs
__scs_entry_jumppad:
0x0: {  	(pc) =	sbr.rel $0x88, $3  }
0x1: {  	(tag) =	ssettag $0x0;
	lr =	simm.s32 $0x1  }
0x2: {  	[smem:$0x3F9E] =	sst lr;
	_ =	strace $0xD0000000  }
0x3: {  	_ = 	snop  }
0x4: {  	_ = 	snop  }
0x5: {  	_ = 	snop  }
0x6: {  	_ = 	snop  }
0x7: {  	_ = 	snop  }
__scs_overlays_trampoline_lowered:
0x8: {  	[smem:$0x3FAD] =	sst s0  }
0x9: {  	[smem:$0x3FAE] =	sst s1  }
0xa: {  	[smem:$0x3FAF] =	sst s2  }
0xb: {  	[smem:$0x3FB0] =	sst s3  }
0xc: {  	[smem:$0x3FB1] =	sst s4  }
0xd: {  	[smem:$0x3FB2] =	sst s5  }
0xe: {  	[smem:$0x3FB3] =	sst s6  }
0xf: {  	[smem:$0x3FB4] =	sst s7  }
0x10: {  	[smem:$0x3FB5] =	sst s8  }
0x11: {  	[smem:$0x3FB6] =	sst s9;
	s0 =	simm.s32 @!p0 $0x0  }
0x12: {  	s1 =	sld [smem:$0x3F9C];
	s0 =	simm.s32 @p0 $0x1  }
0x13: {  	[smem:$0x3FB7] =	sst s0;
	s0 =	simm.s32 @!p1 $0x0  }
0x14: {  	s2 =	sld [smem:$0x3F9B];
	s0 =	simm.s32 @p1 $0x1  }
0x15: {  	[smem:$0x3FB8] =	sst s0;
	s0 =	simm.s32 @!p2 $0x0  }
0x16: {  	s3 =	sld [smem:$0x3FDB];
	s0 =	simm.s32 @p2 $0x1  }
0x17: {  	s4 =	simm.s32 $0x1BF5;
	[smem:$0x3FBA] =	sst s0  }
0x18: {  	s0 =	sld [smem:$0x3F9D];
	_ =	swait.ge [sflag:s4], $0x0  }
0x19: {  	s7 =	sld [smem:$0x3F9E]  }
0x1a: {  	s8 =	sadd.s32 $0xFFFFE003, lr  }
0x1b: {  	s9 =	sadd.s32 $0xFFFFFEF7, lr;
	s5 =	simm.s32 $0xFFFFFFFF;
	p2 =	slt.u32 s8, $0xFFFFF086  }
0x1c: {  	p1 =	slt.u32 s9, $0xF7A;
	s5 =	simm.s32 @!p2 $0x0  }
0x1d: {  	s5 =	simm.s32 @p1 $0x1;
	p0 =	seq.s32 s7, s2  }
0x1e: {  	s7 =	smul.u32 @!p0 $0xF7A, s2;
	p2 =	seq.s32 @!p0 s5, $0x0  }
0x1f: {  	s9 =	smul.u32 $0xF7A, s1;
	s8 =	simm.s32 @!p0 $0x1BF5;
	p2 =	por !p2, p0  }
0x20: {  	[sflag:s8] =	ssyncset.s32 @!p0 $0xFFFFF086;
	s6 =	sadd.s32 @!p0 s3, s7;
	s7 =	simm.s32 @!p0 $0x108  }
0x21: {  	s3 =	sadd.s32 s3, s9;
	s6 =	sadd.s32 @!p0 $0x88, s6;
	s7 =	simm.s32 @p2 $0x1082  }
0x22: {  	[simem:s7], [sflag:s8] =	dma.local @!p0 [hbm:s6], $0xF7A  }
0x23: {  	s9 =	sor.u32 $0xD0000000, s2;
	s6 =	simm.s32 $0x108;
	_ =	swait.ge @!p0 [sflag:s8], $0x0  }
0x24: {  	s3 =	sadd.s32 $0x88, s3;
	s6 =	simm.s32 @!p1 $0x1082;
	[sflag:s4] =	ssyncset.s32 $0xFFFFF086  }
0x25: {  	[simem:s6], [sflag:s4] =	dma.local [hbm:s3], $0xF7A  }
0x26: {  	[smem:$0x3F9E] =	sst s1;
	(tag) =	ssettag s2;
	_ =	strace s9  }
0x27: {  	s1 =	sld [smem:$0x3FAE]  }
0x28: {  	s2 =	sld [smem:$0x3FAF]  }
0x29: {  	s4 =	sld [smem:$0x3FB1]  }
0x2a: {  	p0 =	seq.s32 s5, $0x0;
	s5 =	sld [smem:$0x3FB2]  }
0x2b: {  	s6 =	sld [smem:$0x3FB3]  }
0x2c: {  	s7 =	sld [smem:$0x3FB4]  }
0x2d: {  	s3 =	simm.s32 $0x108;
	s8 =	sld [smem:$0x3FB5]  }
0x2e: {  	s3 =	simm.s32 @!p0 $0x1082;
	s9 =	sld [smem:$0x3FB6]  }
0x2f: {  	lr =	sadd.s32 s0, s3;
	s0 =	sld [smem:$0x3FAD]  }
0x30: {  	s3 =	sld [smem:$0x3FB0]  }
0x31: {  	[smem:$0x3FB9] =	sst s10  }
0x32: {  	s10 =	sld [smem:$0x3FB7];
	_ =	sdelay $0x3  }
0x33: {  	p0 =	seq.s32 s10, $0x1;
	s10 =	sld [smem:$0x3FB9];
	_ =	sdelay $0x3  }
0x34: {  	[smem:$0x3FB9] =	sst s10  }
0x35: {  	s10 =	sld [smem:$0x3FB8];
	_ =	sdelay $0x3  }
0x36: {  	p1 =	seq.s32 s10, $0x1;
	s10 =	sld [smem:$0x3FB9];
	_ =	sdelay $0x3  }
0x37: {  	[smem:$0x3FB9] =	sst s10  }
0x38: {  	s10 =	sld [smem:$0x3FBA]  }
0x39: {  	_ = 	snop;
	(pc) =	sbr.ind lr, $3  }
0x3a: {  	_ = 	snop  }
0x3b: {  	_ = 	snop  }
0x3c: {  	p2 =	seq.s32 s10, $0x1;
	s10 =	sld [smem:$0x3FB9]  }
0x3d: {  	_ =	shalt  }
0x3e: {  	_ =	shalt  }
0x3f: {  	_ =	shalt  }
0x40: {  	_ =	shalt  }
0x41: {  	_ =	shalt  }
0x42: {  	_ =	shalt  }
0x43: {  	_ =	shalt  }
0x44: {  	_ =	shalt  }
0x45: {  	_ =	shalt  }
0x46: {  	_ =	shalt  }
0x47: {  	_ =	shalt  }
0x48: {  	_ =	shalt  }
0x49: {  	_ =	shalt  }
0x4a: {  	_ =	shalt  }
0x4b: {  	_ =	shalt  }
0x4c: {  	_ =	shalt  }
0x4d: {  	_ =	shalt  }
0x4e: {  	_ =	shalt  }
0x4f: {  	_ =	shalt  }
0x50: {  	_ =	shalt  }
0x51: {  	_ =	shalt  }
0x52: {  	_ =	shalt  }
0x53: {  	_ =	shalt  }
0x54: {  	_ =	shalt  }
0x55: {  	_ =	shalt  }
0x56: {  	_ =	shalt  }
0x57: {  	_ =	shalt  }
0x58: {  	_ =	shalt  }
0x59: {  	_ =	shalt  }
0x5a: {  	_ =	shalt  }
0x5b: {  	_ =	shalt  }
0x5c: {  	_ =	shalt  }
0x5d: {  	_ =	shalt  }
0x5e: {  	_ =	shalt  }
0x5f: {  	_ =	shalt  }
0x60: {  	_ =	shalt  }
0x61: {  	_ =	shalt  }
0x62: {  	_ =	shalt  }
0x63: {  	_ =	shalt  }
0x64: {  	_ =	shalt  }
0x65: {  	_ =	shalt  }
0x66: {  	_ =	shalt  }
0x67: {  	_ =	shalt  }
0x68: {  	_ =	shalt  }
0x69: {  	_ =	shalt  }
0x6a: {  	_ =	shalt  }
0x6b: {  	_ =	shalt  }
0x6c: {  	_ =	shalt  }
0x6d: {  	_ =	shalt  }
0x6e: {  	_ =	shalt  }
0x6f: {  	_ =	shalt  }
0x70: {  	_ =	shalt  }
0x71: {  	_ =	shalt  }
0x72: {  	_ =	shalt  }
0x73: {  	_ =	shalt  }
0x74: {  	_ =	shalt  }
0x75: {  	_ =	shalt  }
0x76: {  	_ =	shalt  }
0x77: {  	_ =	shalt  }
0x78: {  	_ =	shalt  }
0x79: {  	_ =	shalt  }
0x7a: {  	_ =	shalt  }
0x7b: {  	_ =	shalt  }
0x7c: {  	_ =	shalt  }
0x7d: {  	_ =	shalt  }
0x7e: {  	_ =	shalt  }
0x7f: {  	_ =	shalt  }
0x80: {  	_ =	shalt  }
0x81: {  	_ =	shalt  }
0x82: {  	_ =	shalt  }
0x83: {  	_ =	shalt  }
0x84: {  	_ =	shalt  }
0x85: {  	_ =	shalt  }
0x86: {  	_ =	shalt  }
0x87: {  	_ =	shalt  }
.Lfunc_end0:
.L_simem_size_0:
called_computation_lowered:
.L_overlay_start_0:
0x88: {  	s2 =	sld [smem:$0x3FD9]  }
0x89: {  	s3 =	sld [smem:$0x3FFE];
	_ =	sdelay $0x1  }
0x8a: {  	s1 =	srdreg.scid  }
0x8b: {  	s0 =	sand.u32 $0x1, s1  }
0x8c: {  	s17 =	sshll.u32 s0, $0xA;
	s2 =	sadd.s32 s3, s2  }
0x8d: {  	s2 =	sadd.s32 s2, s17  }
0x8e: {  	[smem:$0x3FC5] =	sst s2  }
0x8f: {  	_ = 	snop  }
0x90: {  	s2 =	sld [smem:$0x3FC9]  }
0x91: {  	s18 =	sld [smem:$0x3FC8]  }
0x92: {  	s4 =	sld [smem:$0x3FC7];
	(tm) =	ssettm $0x1  }
0x93: {  	s5 =	sld [smem:$0x3FFB];
	_ =	sdelay $0x3  }
0x94: {  	_ =	strace s5  }
0x95: {  	s5 =	sld [smem:$0x3FFC];
	_ =	sdelay $0x3  }
0x96: {  	_ =	strace s5  }
0x97: {  	s5 =	sld [smem:$0x3FFD];
	_ =	sdelay $0x3  }
0x98: {  	_ =	strace s5  }
0x99: {  	_ =	strace $0x8FFFFFFF  }
0x9a: {  	s19 =	sld [smem:$0x3FDB];
	_ =	sdelay $0x1  }
0x9b: {  	s6 =	simm.s32 $_scs_section_size  }
0x9c: {  	s7 =	simm.s32 $_size__tile_overlayer_lowered;
	s8 =	simm.s32 $_tile_overlayer_lowered  }
0x9d: {  	s22 =	simm.s32 $0x1BFF;
	s21 =	sshll.u32 s8, $0x1;
	s5 =	sadd.s32 s6, s19  }
0x9e: {  	s9 =	simm.s32 $0x0;
	s20 =	sshll.u32 s7, $0x1;
	s7 =	sadd.s32 s21, s5  }
0x9f: {  	[timem:s9], [sflag:s22] =	dma.local [hbm:s7], s20  }
0xa0: {  	_ =	swait.ge [sflag:s22], s20  }
0xa1: {  	s6 =	ssub.s32 $0x0, s20;
	[sflag:s22] =	ssyncset.done $0x0  }
0xa2: {  	[sflag:s22] =	ssyncadd.s32 s6;
	_ =	sdelay $0x1  }
0xa3: {  	s23 =	simm.s32 $0x1B8B  }
0xa4: {  	_ =	swait.ge [sflag:s23], $0x1  }
0xa5: {  	[sflag:s23] =	ssyncset.done $0x0  }
0xa6: {  	s25 =	simm.s32 $0x1B8E;
	s24 =	sld [smem:$0x3FFE];
	[sflag:s23] =	ssyncadd.s32 $0xFFFFFFFF  }
0xa7: {  	s26 =	simm.s32 $execute0_lowered;
	[smem:$0x3FD2] =	sst s25  }
0xa8: {  	s7 =	sshll.u32 s26, $0x1;
	_ =	strace $0x80000046;
	[dreg:$0x1] =	wrdreg $0xFFFFFFFF  }
0xa9: {  	s28 =	simm.s32 $_size_execute0_lowered;
	s5 =	sadd.s32 s5, s7;
	[dreg:$0x0] =	wrdreg $0x0  }
0xaa: {  	s7 =	sshll.u32 s28, $0x1;
	[dreg:$0x2] =	wrdreg s5  }
0xab: {  	[dreg:$0x3] =	wrdreg s7  }
0xac: {  	[dreg:$0x4] =	wrdreg $0xC0  }
0xad: {  	_ =	task [dreg:s9], $0x5FFFF  }
0xae: {  	[dreg:$0x1] =	wrdreg $0xFFFFFFFF  }
0xaf: {  	[dreg:$0x0] =	wrdreg $0x60  }
0xb0: {  	[dreg:$0x2] =	wrdreg s2  }
0xb1: {  	[dreg:$0x3] =	wrdreg s18  }
0xb2: {  	[dreg:$0x4] =	wrdreg s4  }
0xb3: {  	[dreg:$0x5] =	wrdreg s24  }
0xb4: {  	[dreg:$0x6] =	wrdreg $0x9  }
0xb5: {  	_ =	task.clear_ibuf [dreg:s9], $0x7FFFF;
	_ =	strace $0x90000046  }
0xb6: {  	s29 =	simm.s32 $0x9;
	_ =	strace $0x80000048  }
0xb7: {  	_ =	swait.ge [sflag:s29], $0x1  }
0xb8: {  	[sflag:s29] =	ssyncadd.s32 $0xFFFFFFFF  }
0xb9: {  	_ =	strace $0x90000048  }
0xba: {  	_ =	sfence  }
0xbb: {  	s30 =	sld [smem:$0x0];
	_ =	sdelay $0x2  }
0xbc: {  	s31 =	sshll.u32 s1, $0xD;
	s1 =	sshrl.u32 s1, $0x2  }
0xbd: {  	s3 =	sand.u32 $0x4000, s31;
	s1 =	sadd.s32 s1, s30  }
0xbe: {  	s0 =	sor.u32 s3, s0;
	s1 =	sshll.u32 s1, $0x11  }
0xbf: {  	s0 =	sor.u32 s1, s0  }
0xc0: {  	s0 =	sadd.s32 $0x8F2B, s0  }
0xc1: {  	[sflag:s0] =	ssyncadd.remote.s32 $0x1  }
0xc2: {  	_ =	sfence.sel $0xFFFF  }
0xc3: {  	[dreg:$0x0] =	wrdreg $0xFFFFFFFF;
	(pc) =	sbr.abs _section_cstart, $3  }
0xc4: {  	[dreg:$0x1] =	wrdreg $0xFFFFFFFF  }
0xc5: {  	_ =	task.clear_ibuf [dreg:s9], $0x2FFFF;
	_ =	strace $0x9FFFFFFF  }
0xc6: {  	(tm) =	ssettm $0x7FFFFFFF  }
0xc7: {  	_ =	shalt  }
tec
execute0_lowered:
.L_overlay_start_1:
0x0: {  	(tag) =	ssettag $0x1  }
0x1: {  	s4 =	rddreg [dreg:$0x2]  }
0x2: {  	s0 =	rddreg [dreg:$0x3];
	s1 =	srdreg.scid  }
0x3: {  	s2 =	stileid.u32;
	s5 =	simm.s32 $0x0;
	s28 =	simm.s32 $0x5  }
0x4: {  	s29 =	simm.s32 $0xA00;
	s24 =	simm.s32 $0x200;
	s30 =	simm.s32 $0x2  }
0x5: {  	s31 =	simm.s32 $0x10A00;
	s21 =	simm.s32 $0x4;
	s22 =	simm.s32 $0x0  }
0x6: {  	s1 =	sand.u32 $0x1, s1;
	s2 =	sshll.u32 s2, $0x1;
	[smem:$0x7FF] =	sst s5  }
0x7: {  	s7 =	sadd.s32 $0x100, s4;
	s8 =	sadd.s32 $0x200, s4;
	s9 =	sadd.s32 $0x300, s4  }
0x8: {  	s10 =	sadd.s32 $0x400, s4;
	s11 =	sadd.s32 $0x500, s4;
	s12 =	sadd.s32 $0x600, s4  }
0x9: {  	s13 =	sadd.s32 $0x700, s4;
	s14 =	sadd.s32 $0x800, s4;
	s15 =	sadd.s32 $0x900, s4  }
0xa: {  	s16 =	sadd.s32 $0xA00, s4;
	s17 =	sadd.s32 $0xB00, s4;
	s18 =	sadd.s32 $0xC00, s4  }
0xb: {  	s20 =	sadd.s32 $0xD00, s4;
	s2 =	sor.u32 s1, s2;
	s1 =	ssub.s32 $0x2, s1  }
0xc: {  	s23 =	sadd.s32 $0xE00, s4;
	s3 =	sshll.u32 s2, $0x8;
	s6 =	sshrl.u32 s1, $0x1  }
0xd: {  	s3 =	sadd.s32 s3, s0;
	s1 =	ssub.s32 s1, s6;
	s6 =	sshll.u32 s2, $0x4  }
0xe: {  	s0 =	sadd.s32 $0xA00, s0;
	s2 =	sshll.u32 s2, $0xA;
	s19 =	sor.u32 $0x8, s6  }
0xf: {  	_ =	strace $0x80000047;
	s2 =	sadd.s32 s0, s2;
	[dreg:$0x5] =	wrdreg s19  }
0x10: {  	s25 =	sadd.s32 $0x8A00, s3;
	s26 =	smax.u32 s1, $0x1;
	[dreg:$0x6] =	wrdreg s2  }
0x11: {  	v0 =	vlaneseq.u32;
	s3 =	simm.s32 $0x8A00;
	s19 =	sshll.u32 s19, $0x6;
	[dreg:$0x8] =	wrdreg s25  }
0x12: {  	v1 =	vshrl.u32 v0, $0x3;
	s1 =	simm.s32 $0x1;
	[dreg:$0x9] =	wrdreg s26;
	s0 =	sadd.s32 s0, s19  }
0x13: {  	vm0 =	vmmov $0xffff;
	v0 =	vand.u32 $0x7, v0;
	v1 =	vmul.u32 $0x8, v1;
	s26 =	sadd.s32 $0xF00, s4;
	[dreg:$0x7] =	wrdreg s0;
	s0 =	simm.s32 $0x3  }
.LBB2_1:
0x14: {  	s2 =	rddreg [dreg:$0x0]  }
0x15: {  	[tilespmem:s5], [sflag:$0x5] =	stream.linear.gather [hbm4b:s2+s5], $0x200, $0x38;
	[tilespmem:$0x12A00] =	vst v63  }
0x16: {  	_ =	swait.ge [sflag:s28], $0x200  }
0x17: {  	[sflag:s28] =	ssyncset.done $0x0  }
0x18: {  	[sflag:s28] =	ssyncadd.s32 $0xFFFFFE00  }
0x19: {  	v2 =	vld.msk [tilespmem:s6+$0x0], $0xff;
	_ =	sdelay $0x4  }
0x1a: {  	v3 =	vshll.u32 v2, $0x5  }
0x1b: {  	v2 =	vand.u32 $0x7, v2;
	v3 =	vand.u32 $0xFFFFFF00, v3  }
0x1c: {  	v2 =	vor.u32 v2, v3  }
0x1d: {  	v2 =	vperm.xlane v2, v0;
	_ =	sdelay $0x1  }
0x1e: {  	v2 =	vadd.s32 v1, v2;
	_ =	sdelay $0x4  }
0x1f: {  	[tilespmem:s29], [sflag:$0x2] =	stream.indirect_vreg.gather [hbm4b:s4+s5], $0x80, v2, vm0, $0xb8;
	[tilespmem:$0x12A00] =	vst v63  }
0x20: {  	s19 =	simm.s32 $0x1200  }
0x21: {  	[tilespmem:s19], [sflag:$0x2] =	stream.indirect_vreg.gather [hbm4b:s7+s5], $0x80, v2, vm0, $0xb8;
	[tilespmem:$0x12A00] =	vst v63  }
0x22: {  	s25 =	simm.s32 $0x1A00  }
0x23: {  	[tilespmem:s25], [sflag:$0x2] =	stream.indirect_vreg.gather [hbm4b:s8+s5], $0x80, v2, vm0, $0xb8;
	[tilespmem:$0x12A00] =	vst v63  }
0x24: {  	s19 =	simm.s32 $0x2200  }
0x25: {  	[tilespmem:s19], [sflag:$0x2] =	stream.indirect_vreg.gather [hbm4b:s9+s5], $0x80, v2, vm0, $0xb8;
	[tilespmem:$0x12A00] =	vst v63  }
0x26: {  	s25 =	simm.s32 $0x2A00  }
0x27: {  	[tilespmem:s25], [sflag:$0x2] =	stream.indirect_vreg.gather [hbm4b:s10+s5], $0x80, v2, vm0, $0xb8;
	[tilespmem:$0x12A00] =	vst v63  }
0x28: {  	s19 =	simm.s32 $0x3200  }
0x29: {  	[tilespmem:s19], [sflag:$0x2] =	stream.indirect_vreg.gather [hbm4b:s11+s5], $0x80, v2, vm0, $0xb8;
	[tilespmem:$0x12A00] =	vst v63  }
0x2a: {  	s25 =	simm.s32 $0x3A00  }
0x2b: {  	[tilespmem:s25], [sflag:$0x2] =	stream.indirect_vreg.gather [hbm4b:s12+s5], $0x80, v2, vm0, $0xb8;
	[tilespmem:$0x12A00] =	vst v63  }
0x2c: {  	s19 =	simm.s32 $0x4200  }
0x2d: {  	[tilespmem:s19], [sflag:$0x2] =	stream.indirect_vreg.gather [hbm4b:s13+s5], $0x80, v2, vm0, $0xb8;
	[tilespmem:$0x12A00] =	vst v63  }
0x2e: {  	s25 =	simm.s32 $0x4A00  }
0x2f: {  	[tilespmem:s25], [sflag:$0x2] =	stream.indirect_vreg.gather [hbm4b:s14+s5], $0x80, v2, vm0, $0xb8;
	[tilespmem:$0x12A00] =	vst v63  }
0x30: {  	s19 =	simm.s32 $0x5200  }
0x31: {  	[tilespmem:s19], [sflag:$0x2] =	stream.indirect_vreg.gather [hbm4b:s15+s5], $0x80, v2, vm0, $0xb8;
	[tilespmem:$0x12A00] =	vst v63  }
0x32: {  	s25 =	simm.s32 $0x5A00  }
0x33: {  	[tilespmem:s25], [sflag:$0x2] =	stream.indirect_vreg.gather [hbm4b:s16+s5], $0x80, v2, vm0, $0xb8;
	[tilespmem:$0x12A00] =	vst v63  }
0x34: {  	s19 =	simm.s32 $0x6200  }
0x35: {  	[tilespmem:s19], [sflag:$0x2] =	stream.indirect_vreg.gather [hbm4b:s17+s5], $0x80, v2, vm0, $0xb8;
	[tilespmem:$0x12A00] =	vst v63  }
0x36: {  	s25 =	simm.s32 $0x6A00  }
0x37: {  	[tilespmem:s25], [sflag:$0x2] =	stream.indirect_vreg.gather [hbm4b:s18+s5], $0x80, v2, vm0, $0xb8;
	[tilespmem:$0x12A00] =	vst v63  }
0x38: {  	s19 =	simm.s32 $0x7200  }
0x39: {  	[tilespmem:s19], [sflag:$0x2] =	stream.indirect_vreg.gather [hbm4b:s20+s5], $0x80, v2, vm0, $0xb8;
	[tilespmem:$0x12A00] =	vst v63  }
0x3a: {  	s25 =	simm.s32 $0x7A00  }
0x3b: {  	[tilespmem:s25], [sflag:$0x2] =	stream.indirect_vreg.gather [hbm4b:s23+s5], $0x80, v2, vm0, $0xb8;
	[tilespmem:$0x12A00] =	vst v63  }
0x3c: {  	s19 =	simm.s32 $0x8200;
	s25 =	rddreg [dreg:$0x5]  }
0x3d: {  	[tilespmem:s19], [sflag:$0x2] =	stream.indirect_vreg.gather [hbm4b:s26+s5], $0x80, v2, vm0, $0xb8;
	[tilespmem:$0x12A00] =	vst v63  }
0x3e: {  	v2 =	vld.msk [tilespmem:s25+$0x0], $0xff;
	_ =	sdelay $0x4  }
0x3f: {  	v3 =	vshll.u32 v2, $0x5  }
0x40: {  	v2 =	vand.u32 $0x7, v2;
	v3 =	vand.u32 $0xFFFFFF00, v3  }
0x41: {  	v2 =	vor.u32 v2, v3  }
0x42: {  	v2 =	vperm.xlane v2, v0;
	_ =	sdelay $0x1  }
0x43: {  	v2 =	vadd.s32 v1, v2;
	_ =	sdelay $0x4  }
0x44: {  	[tilespmem:s3], [sflag:$0x3] =	stream.indirect_vreg.gather [hbm4b:s4+s5], $0x80, v2, vm0, $0xb8;
	[tilespmem:$0x12A00] =	vst v63  }
0x45: {  	s19 =	simm.s32 $0x9200  }
0x46: {  	[tilespmem:s19], [sflag:$0x3] =	stream.indirect_vreg.gather [hbm4b:s7+s5], $0x80, v2, vm0, $0xb8;
	[tilespmem:$0x12A00] =	vst v63  }
0x47: {  	s25 =	simm.s32 $0x9A00  }
0x48: {  	[tilespmem:s25], [sflag:$0x3] =	stream.indirect_vreg.gather [hbm4b:s8+s5], $0x80, v2, vm0, $0xb8;
	[tilespmem:$0x12A00] =	vst v63  }
0x49: {  	s19 =	simm.s32 $0xA200  }
0x4a: {  	[tilespmem:s19], [sflag:$0x3] =	stream.indirect_vreg.gather [hbm4b:s9+s5], $0x80, v2, vm0, $0xb8;
	[tilespmem:$0x12A00] =	vst v63  }
0x4b: {  	s25 =	simm.s32 $0xAA00  }
0x4c: {  	[tilespmem:s25], [sflag:$0x3] =	stream.indirect_vreg.gather [hbm4b:s10+s5], $0x80, v2, vm0, $0xb8;
	[tilespmem:$0x12A00] =	vst v63  }
0x4d: {  	s19 =	simm.s32 $0xB200  }
0x4e: {  	[tilespmem:s19], [sflag:$0x3] =	stream.indirect_vreg.gather [hbm4b:s11+s5], $0x80, v2, vm0, $0xb8;
	[tilespmem:$0x12A00] =	vst v63  }
0x4f: {  	s25 =	simm.s32 $0xBA00  }
0x50: {  	[tilespmem:s25], [sflag:$0x3] =	stream.indirect_vreg.gather [hbm4b:s12+s5], $0x80, v2, vm0, $0xb8;
	[tilespmem:$0x12A00] =	vst v63  }
0x51: {  	s19 =	simm.s32 $0xC200  }
0x52: {  	[tilespmem:s19], [sflag:$0x3] =	stream.indirect_vreg.gather [hbm4b:s13+s5], $0x80, v2, vm0, $0xb8;
	[tilespmem:$0x12A00] =	vst v63  }
0x53: {  	s25 =	simm.s32 $0xCA00  }
0x54: {  	[tilespmem:s25], [sflag:$0x3] =	stream.indirect_vreg.gather [hbm4b:s14+s5], $0x80, v2, vm0, $0xb8;
	[tilespmem:$0x12A00] =	vst v63  }
0x55: {  	s19 =	simm.s32 $0xD200  }
0x56: {  	[tilespmem:s19], [sflag:$0x3] =	stream.indirect_vreg.gather [hbm4b:s15+s5], $0x80, v2, vm0, $0xb8;
	[tilespmem:$0x12A00] =	vst v63  }
0x57: {  	s25 =	simm.s32 $0xDA00  }
0x58: {  	[tilespmem:s25], [sflag:$0x3] =	stream.indirect_vreg.gather [hbm4b:s16+s5], $0x80, v2, vm0, $0xb8;
	[tilespmem:$0x12A00] =	vst v63  }
0x59: {  	s19 =	simm.s32 $0xE200  }
0x5a: {  	[tilespmem:s19], [sflag:$0x3] =	stream.indirect_vreg.gather [hbm4b:s17+s5], $0x80, v2, vm0, $0xb8;
	[tilespmem:$0x12A00] =	vst v63  }
0x5b: {  	s25 =	simm.s32 $0xEA00  }
0x5c: {  	[tilespmem:s25], [sflag:$0x3] =	stream.indirect_vreg.gather [hbm4b:s18+s5], $0x80, v2, vm0, $0xb8;
	[tilespmem:$0x12A00] =	vst v63  }
0x5d: {  	s19 =	simm.s32 $0xF200  }
0x5e: {  	[tilespmem:s19], [sflag:$0x3] =	stream.indirect_vreg.gather [hbm4b:s20+s5], $0x80, v2, vm0, $0xb8;
	[tilespmem:$0x12A00] =	vst v63  }
0x5f: {  	s25 =	simm.s32 $0xFA00  }
0x60: {  	[tilespmem:s25], [sflag:$0x3] =	stream.indirect_vreg.gather [hbm4b:s23+s5], $0x80, v2, vm0, $0xb8;
	[tilespmem:$0x12A00] =	vst v63  }
0x61: {  	s19 =	simm.s32 $0x10200  }
0x62: {  	[tilespmem:s19], [sflag:$0x3] =	stream.indirect_vreg.gather [hbm4b:s26+s5], $0x80, v2, vm0, $0xb8;
	[tilespmem:$0x12A00] =	vst v63  }
0x63: {  	s25 =	rddreg [dreg:$0x1];
	s19 =	simm.s32 $0x10  }
0x64: {  	[tilespmem:s24], [sflag:$0x1] =	stream.indirect.gather [hbm4b:s25+s19], $0x80, s6, s19, $0xb8;
	[tilespmem:$0x12A00] =	vst v63  }
0x65: {  	_ =	swait.ge [sflag:s30], $0x8000  }
0x66: {  	[sflag:s30] =	ssyncset.done $0x0  }
0x67: {  	[sflag:s30] =	ssyncadd.s32 $0xFFFF8000  }
0x68: {  	v2 =	vld [tilespmem:s5+$0x0];
	_ =	sdelay $0x4  }
0x69: {  	v3 =	vshll.u32 v2, $0x3  }
0x6a: {  	v2 =	vand.u32 $0x7F, v2;
	v3 =	vand.u32 $0xFFFFFC00, v3  }
0x6b: {  	v2 =	vor.u32 v2, v3;
	_ =	sdelay $0x4  }
0x6c: {  	v3 =	vld.idx.msk [tilespmem:v2+s29+$0x0], $0xffff  }
0x6d: {  	v4 =	vor.u32 $0x80, v2;
	_ =	sdelay $0x3  }
0x6e: {  	[tilespmem:s31+$0x0] =	vst v3  }
0x6f: {  	v3 =	vld.idx.msk [tilespmem:v4+s29+$0x0], $0xffff  }
0x70: {  	v59 =	vor.u32 $0x100, v2;
	_ =	sdelay $0x2  }
0x71: {  	s25 =	sand.u32 $0x1F0, s5  }
0x72: {  	[tilespmem:s25+$0x10C00] =	vst v3  }
0x73: {  	v3 =	vld.idx.msk [tilespmem:v59+s29+$0x0], $0xffff  }
0x74: {  	v60 =	vor.u32 $0x180, v2;
	_ =	sdelay $0x3  }
0x75: {  	[tilespmem:s25+$0x10E00] =	vst v3  }
0x76: {  	v3 =	vld.idx.msk [tilespmem:v60+s29+$0x0], $0xffff  }
0x77: {  	v61 =	vor.u32 $0x200, v2;
	_ =	sdelay $0x3  }
0x78: {  	[tilespmem:s25+$0x11000] =	vst v3  }
0x79: {  	v3 =	vld.idx.msk [tilespmem:v61+s29+$0x0], $0xffff  }
0x7a: {  	v62 =	vor.u32 $0x280, v2;
	_ =	sdelay $0x3  }
0x7b: {  	[tilespmem:s25+$0x11200] =	vst v3  }
0x7c: {  	v3 =	vld.idx.msk [tilespmem:v62+s29+$0x0], $0xffff  }
0x7d: {  	v63 =	vor.u32 $0x300, v2;
	_ =	sdelay $0x3  }
0x7e: {  	[tilespmem:s25+$0x11400] =	vst v3  }
0x7f: {  	v3 =	vld.idx.msk [tilespmem:v63+s29+$0x0], $0xffff  }
0x80: {  	v2 =	vor.u32 $0x380, v2;
	_ =	sdelay $0x3  }
0x81: {  	[tilespmem:s25+$0x11600] =	vst v3  }
0x82: {  	v2 =	vld.idx.msk [tilespmem:v2+s29+$0x0], $0xffff;
	_ =	sdelay $0x4  }
0x83: {  	s24 =	simm.s32 $0x10;
	s19 =	simm.s32 $0x10A00;
	[tilespmem:s25+$0x11800] =	vst v2;
	s25 =	simm.s32 $0x10  }
.LBB2_2:
0x84: {  	v2 =	vld [tilespmem:s24+$0x0];
	p0 =	sne.s32 s25, $0x1F0;
	_ =	sdelay $0x4  }
0x85: {  	v3 =	vshll.u32 v2, $0x3  }
0x86: {  	v2 =	vand.u32 $0x7F, v2;
	v3 =	vand.u32 $0xFFFFFC00, v3  }
0x87: {  	v2 =	vor.u32 v2, v3  }
0x88: {  	v3 =	vor.u32 $0x380, v2;
	_ =	sdelay $0x3  }
0x89: {  	v4 =	vld.idx.msk [tilespmem:v2+s29+$0x0], $0xffff;
	_ =	sdelay $0x1  }
0x8a: {  	v5 =	vor.u32 $0x80, v2;
	_ =	sdelay $0x2  }
0x8b: {  	s19 =	sadd.s32 $0x10, s19  }
0x8c: {  	[tilespmem:s19+$0x0] =	vst v4  }
0x8d: {  	v4 =	vld.idx.msk [tilespmem:v5+s29+$0x0], $0xffff;
	_ =	sdelay $0x1  }
0x8e: {  	v5 =	vor.u32 $0x100, v2;
	_ =	sdelay $0x2  }
0x8f: {  	s2 =	sand.u32 $0x1F0, s25  }
0x90: {  	[tilespmem:s2+$0x10C00] =	vst v4  }
0x91: {  	v4 =	vld.idx.msk [tilespmem:v5+s29+$0x0], $0xffff;
	_ =	sdelay $0x1  }
0x92: {  	v5 =	vor.u32 $0x180, v2;
	_ =	sdelay $0x3  }
0x93: {  	[tilespmem:s2+$0x10E00] =	vst v4  }
0x94: {  	v4 =	vld.idx.msk [tilespmem:v5+s29+$0x0], $0xffff;
	_ =	sdelay $0x1  }
0x95: {  	v5 =	vor.u32 $0x200, v2;
	_ =	sdelay $0x3  }
0x96: {  	[tilespmem:s2+$0x11000] =	vst v4  }
0x97: {  	v4 =	vld.idx.msk [tilespmem:v5+s29+$0x0], $0xffff;
	_ =	sdelay $0x1  }
0x98: {  	v5 =	vor.u32 $0x280, v2;
	_ =	sdelay $0x3  }
0x99: {  	[tilespmem:s2+$0x11200] =	vst v4  }
0x9a: {  	v4 =	vld.idx.msk [tilespmem:v5+s29+$0x0], $0xffff;
	_ =	sdelay $0x1  }
0x9b: {  	v2 =	vor.u32 $0x300, v2;
	_ =	sdelay $0x3  }
0x9c: {  	[tilespmem:s2+$0x11400] =	vst v4  }
0x9d: {  	v2 =	vld.idx.msk [tilespmem:v2+s29+$0x0], $0xffff;
	_ =	sdelay $0x5  }
0x9e: {  	[tilespmem:s2+$0x11600] =	vst v2  }
0x9f: {  	v2 =	vld.idx.msk [tilespmem:v3+s29+$0x0], $0xffff;
	_ =	sdelay $0x1  }
.Ltmp0:
0xa0: {  	(pc) =	sbr.rel @p0 .LBB2_2-.Ltmp0, $2  }
0xa1: {  	_ =	sdelay $0x2  }
0xa2: {  	s24 =	sadd.s32 $0x10, s24;
	s25 =	sadd.s32 $0x10, s25;
	[tilespmem:s2+$0x11800] =	vst v2  }
0xa3: {  	s24 =	simm.s32 $0x0;
	s2 =	rddreg [dreg:$0x6]  }
0xa4: {  	[hbm4b:s2+s24] =	stream.linear.scatter [tilespmem:s31], [sflag:$0x4], $0x1000, $0x38;
	[tilespmem:$0x12A00] =	vst v63  }
0xa5: {  	_ =	swait.ge [sflag:s0], $0x8000  }
0xa6: {  	[sflag:s0] =	ssyncset.done $0x0  }
0xa7: {  	[sflag:s0] =	ssyncadd.s32 $0xFFFF8000  }
0xa8: {  	v2 =	vld [tilespmem:s24+$0x0];
	_ =	sdelay $0x4  }
0xa9: {  	v3 =	vshll.u32 v2, $0x3  }
0xaa: {  	v2 =	vand.u32 $0x7F, v2;
	v3 =	vand.u32 $0xFFFFFC00, v3  }
0xab: {  	v2 =	vor.u32 v2, v3;
	_ =	sdelay $0x4  }
0xac: {  	v3 =	vld.idx.msk [tilespmem:v2+s3+$0x0], $0xffff  }
0xad: {  	v4 =	vor.u32 $0x80, v2;
	_ =	sdelay $0x2  }
0xae: {  	s25 =	sand.u32 $0x1F0, s24  }
0xaf: {  	[tilespmem:s25+$0x11A00] =	vst v3  }
0xb0: {  	v3 =	vld.idx.msk [tilespmem:v4+s3+$0x0], $0xffff  }
0xb1: {  	v59 =	vor.u32 $0x100, v2;
	_ =	sdelay $0x3  }
0xb2: {  	[tilespmem:s25+$0x11C00] =	vst v3  }
0xb3: {  	v3 =	vld.idx.msk [tilespmem:v59+s3+$0x0], $0xffff  }
0xb4: {  	v60 =	vor.u32 $0x180, v2;
	_ =	sdelay $0x3  }
0xb5: {  	[tilespmem:s25+$0x11E00] =	vst v3  }
0xb6: {  	v3 =	vld.idx.msk [tilespmem:v60+s3+$0x0], $0xffff  }
0xb7: {  	v61 =	vor.u32 $0x200, v2;
	_ =	sdelay $0x3  }
0xb8: {  	[tilespmem:s25+$0x12000] =	vst v3  }
0xb9: {  	v3 =	vld.idx.msk [tilespmem:v61+s3+$0x0], $0xffff  }
0xba: {  	v62 =	vor.u32 $0x280, v2;
	_ =	sdelay $0x3  }
0xbb: {  	[tilespmem:s25+$0x12200] =	vst v3  }
0xbc: {  	v3 =	vld.idx.msk [tilespmem:v62+s3+$0x0], $0xffff  }
0xbd: {  	v63 =	vor.u32 $0x300, v2;
	_ =	sdelay $0x3  }
0xbe: {  	[tilespmem:s25+$0x12400] =	vst v3  }
0xbf: {  	v3 =	vld.idx.msk [tilespmem:v63+s3+$0x0], $0xffff  }
0xc0: {  	v2 =	vor.u32 $0x380, v2;
	_ =	sdelay $0x3  }
0xc1: {  	[tilespmem:s25+$0x12600] =	vst v3  }
0xc2: {  	s19 =	simm.s32 $0x10;
	v2 =	vld.idx.msk [tilespmem:v2+s3+$0x0], $0xffff  }
.LBB2_4:
0xc3: {  	_ =	sdelay $0x2  }
0xc4: {  	p0 =	sne.s32 s19, $0x1F0  }
0xc5: {  	s24 =	sadd.s32 $0x10, s24;
	s2 =	smov.u32 s19;
	s19 =	sadd.s32 $0x10, s19;
	[tilespmem:s25+$0x12800] =	vst v2  }
0xc6: {  	v2 =	vld [tilespmem:s24+$0x0];
	_ =	sdelay $0x4  }
0xc7: {  	v3 =	vshll.u32 v2, $0x3  }
0xc8: {  	v2 =	vand.u32 $0x7F, v2;
	v3 =	vand.u32 $0xFFFFFC00, v3  }
0xc9: {  	v2 =	vor.u32 v2, v3;
	_ =	sdelay $0x4  }
0xca: {  	v3 =	vld.idx.msk [tilespmem:v2+s3+$0x0], $0xffff;
	_ =	sdelay $0x1  }
0xcb: {  	v4 =	vor.u32 $0x80, v2;
	_ =	sdelay $0x2  }
0xcc: {  	s25 =	sand.u32 $0x1F0, s2  }
0xcd: {  	[tilespmem:s25+$0x11A00] =	vst v3  }
0xce: {  	v3 =	vld.idx.msk [tilespmem:v4+s3+$0x0], $0xffff;
	_ =	sdelay $0x1  }
0xcf: {  	v4 =	vor.u32 $0x100, v2;
	_ =	sdelay $0x3  }
0xd0: {  	[tilespmem:s25+$0x11C00] =	vst v3  }
0xd1: {  	v3 =	vld.idx.msk [tilespmem:v4+s3+$0x0], $0xffff;
	_ =	sdelay $0x1  }
0xd2: {  	v4 =	vor.u32 $0x180, v2;
	_ =	sdelay $0x3  }
0xd3: {  	[tilespmem:s25+$0x11E00] =	vst v3  }
0xd4: {  	v3 =	vld.idx.msk [tilespmem:v4+s3+$0x0], $0xffff;
	_ =	sdelay $0x1  }
0xd5: {  	v4 =	vor.u32 $0x200, v2;
	_ =	sdelay $0x3  }
0xd6: {  	[tilespmem:s25+$0x12000] =	vst v3  }
0xd7: {  	v3 =	vld.idx.msk [tilespmem:v4+s3+$0x0], $0xffff;
	_ =	sdelay $0x1  }
0xd8: {  	v4 =	vor.u32 $0x280, v2;
	_ =	sdelay $0x3  }
0xd9: {  	[tilespmem:s25+$0x12200] =	vst v3  }
0xda: {  	v3 =	vld.idx.msk [tilespmem:v4+s3+$0x0], $0xffff;
	_ =	sdelay $0x1  }
0xdb: {  	v4 =	vor.u32 $0x300, v2;
	_ =	sdelay $0x3  }
0xdc: {  	[tilespmem:s25+$0x12400] =	vst v3  }
0xdd: {  	v3 =	vld.idx.msk [tilespmem:v4+s3+$0x0], $0xffff;
	_ =	sdelay $0x1  }
0xde: {  	v2 =	vor.u32 $0x380, v2  }
.Ltmp1:
0xdf: {  	(pc) =	sbr.rel @p0 .LBB2_4-.Ltmp1, $3  }
0xe0: {  	_ =	sdelay $0x1  }
0xe1: {  	[tilespmem:s25+$0x12600] =	vst v3  }
0xe2: {  	v2 =	vld.idx.msk [tilespmem:v2+s3+$0x0], $0xffff  }
0xe3: {  	_ =	sdelay $0x3  }
0xe4: {  	s2 =	rddreg [dreg:$0x7];
	s19 =	simm.s32 $0x11A00;
	[tilespmem:s25+$0x12800] =	vst v2  }
0xe5: {  	[hbm4b:s2+s5] =	stream.linear.scatter [tilespmem:s19], [sflag:$0x4], $0x1000, $0x38;
	[tilespmem:$0x12A00] =	vst v63  }
0xe6: {  	_ =	swait.ge [sflag:s1], $0x800  }
0xe7: {  	[sflag:s1] =	ssyncset.done $0x0  }
0xe8: {  	s24 =	simm.s32 $0x200;
	s19 =	rddreg [dreg:$0x8];
	[sflag:s1] =	ssyncadd.s32 $0xFFFFF800  }
0xe9: {  	[hbm4b:s19+s5] =	stream.linear.scatter [tilespmem:s24], [sflag:$0x5], $0x800, $0x38;
	[tilespmem:$0x12A00] =	vst v63  }
0xea: {  	_ =	swait.ge [sflag:s28], $0x800  }
0xeb: {  	[sflag:s28] =	ssyncset.done $0x0  }
0xec: {  	[sflag:s28] =	ssyncadd.s32 $0xFFFFF800  }
0xed: {  	_ =	swait.ge [sflag:s21], $0x1000  }
0xee: {  	[sflag:s21] =	ssyncset.done $0x0  }
0xef: {  	[sflag:s21] =	ssyncadd.s32 $0xFFFFF000  }
0xf0: {  	_ =	swait.ge [sflag:s21], $0x1000  }
0xf1: {  	s22 =	sadd.s32 $0x1, s22;
	s25 =	rddreg [dreg:$0x9]  }
0xf2: {  	p0 =	sne.s32 s22, s25  }
.Ltmp2:
0xf3: {  	_ = 	snop;
	(pc) =	sbr.rel @p0 .LBB2_1-.Ltmp2, $3  }
0xf4: {  	_ =	sdelay $0x1  }
0xf5: {  	[sflag:s21] =	ssyncset.done $0x0  }
0xf6: {  	[sflag:s21] =	ssyncadd.s32 $0xFFFFF000  }
0xf7: {  	_ =	sfence.sel $0x180000  }
0xf8: {  	[bflag:$0x0] =	sbarrier.arrive $0xFFFF  }
0xf9: {  	_ =	strace $0x90000047  }
0xfa: {  	s0 =	stileid.u32;
	[bflag:$0x2] =	sbarrier.arrive $0xFFFF  }
0xfb: {  	p0 =	sne.s32 s0, $0x0;
	s0 =	rddreg [dreg:$0x4]  }
0xfc: {  	s0 =	sadd.s32 @!p0 $0x100000, s0  }
0xfd: {  	[sflag:s0] =	ssyncadd.tile.s32 @!p0 $0x1;
	_ =	shalt  }
.Lfunc_end2:
_tile_overlayer_lowered:
.L_overlay_start_2:
0xfe: {  	(tag) =	ssettag $0x2  }
0xff: {  	s0 =	rddreg [dreg:$0x0];
	s2 =	stileid.u32  }
0x100: {  	s1 =	rddreg [dreg:$0x1];
	p0 =	sne.s32 s2, $0x0  }
0x101: {  	s3 =	rddreg [dreg:$0x2];
	[bflag:$0x3] =	sbarrier.arrive $0xFFFF;
	s2 =	simm.s32 @!p0 $0x1C05  }
0x102: {  	[timem:s3], [sflag:s2] =	dma.local @!p0 [hbm:s0], s1  }
0x103: {  	s0 =	simm.s32 @!p0 $0x5  }
0x104: {  	_ =	swait.ge @!p0 [sflag:s0], s1  }
0x105: {  	s1 =	ssub.s32 @!p0 $0x0, s1;
	[sflag:s0] =	ssyncset.done @!p0 $0x0  }
0x106: {  	[sflag:s0] =	ssyncadd.s32 @!p0 s1  }
0x107: {  	[bflag:$0x3] =	sbarrier.arrive $0xFFFF  }
0x108: {  	_ =	shalt  }

</sc_bundles>
